<compile_context>
chip_gen: v7x
topology: tpu7x:2x2x1
jax: 0.10.2.dev20260603
libtpu: 0.0.44.dev20260713+nightly
codegen_flags: <defaults>
</compile_context>

<pallas_src>
import functools

import jax
import jax.numpy as jnp
from jax import lax
from jax.experimental import pallas as pl
from jax.experimental.pallas import tpu as pltpu
from jax.experimental.pallas import tpu_sc as plsc

VOCAB = 100000
BATCH = 4096
HIST = 50
N_D = 64
NC, NS = 2, 16
NW = NC * NS
BB = BATCH // NW
NBUF = 5


@functools.partial(
    pl.kernel,
    out_type=jax.ShapeDtypeStruct((HIST, BATCH, 2 * N_D), jnp.float32),
    mesh=plsc.VectorSubcoreMesh(core_axis_name="c", subcore_axis_name="s"),
    scratch_types=[
        pltpu.VMEM((HIST, BB), jnp.int32),
        pltpu.VMEM((NBUF, BB, N_D), jnp.float32),
        [pltpu.SemaphoreType.DMA] * NBUF,
        [pltpu.SemaphoreType.DMA] * NBUF,
    ],
    compiler_params=pltpu.CompilerParams(use_tc_tiling_on_sc=False),
)
def _emb_lookup(idx_hbm, table_hbm, out_hbm, idx_v, big, gsem, wsem):
    wid = lax.axis_index("s") * NC + lax.axis_index("c")
    b0 = wid * BB
    pltpu.sync_copy(idx_hbm.at[:, pl.ds(b0, BB)], idx_v)

    def gather(h, buf):
        return pltpu.make_async_copy(
            table_hbm.at[idx_v.at[h]], big.at[buf], gsem[buf])

    def write(h, buf):
        return pltpu.make_async_copy(
            big.at[buf], out_hbm.at[h].at[pl.ds(b0, BB), pl.ds(0, N_D)],
            wsem[buf])

    for buf in range(NBUF):
        gather(buf, buf).start()

    def body(i, _):
        for buf in range(NBUF):
            h = NBUF * i + buf
            gather(h, buf).wait()
            write(h, buf).start()

            @pl.when(h + NBUF < HIST)
            def _():
                write(h, buf).wait()
                gather(h + NBUF, buf).start()
        return ()

    lax.fori_loop(0, HIST // NBUF, body, (), unroll=False)
    for buf in range(NBUF):
        write(HIST - NBUF + buf, buf).wait()


def kernel(input, weight):
    idx = jnp.transpose(input.astype(jnp.int32))
    out = _emb_lookup(idx, weight)
    return jnp.transpose(out, (1, 0, 2))[:, :, :N_D]

# --- scband reference (transcript-rebuilt; emitter-appended) ---
"""Pipeline reference for scband-embedding-layer-63608465654146 (READ-ONLY COPY).

The authoritative reference and input builder live on the scoring server;
editing this copy changes nothing except your own understanding.
"""

import jax, jax.numpy as jnp
import numpy as np

VOCAB = 100000
N_D = 64
BATCH = 4096
HIST = 50


def setup_inputs(seed: int = 0) -> dict:
    key = jax.random.key(seed)
    k1, k2 = jax.random.split(key)
    # token indices (word IDs)
    indices = jax.random.randint(k1, (BATCH, HIST), 0, VOCAB)
    # embedding table initialized uniform(-0.25, 0.25) then row-L2-normalized,
    # matching EmbeddingLayer.__init__ with normalize=True
    table = jax.random.uniform(k2, (VOCAB, N_D), minval=-0.25, maxval=0.25, dtype=jnp.float32)
    norms = jnp.linalg.norm(table, ord=2, axis=1, keepdims=True)
    table = table / norms
    return {"input": indices, "weight": table}


def reference(input, weight):
    # forward: self.embedding(input) == gather rows of the table
    return jnp.take(weight, input, axis=0)

if __name__ == "__main__":
    import jax
    _d = setup_inputs()
    print(jax.jit(kernel)(*tuple(_d.values())))

</pallas_src>

<mosaic_0001>
#map = affine_map<(d0, d1) -> (0, 0)>
#map1 = affine_map<(d0, d1) -> (0, 0, 0)>
module attributes {stable_mosaic.version = 14 : i64} {
  func.func @_emb_lookup(%arg0: i32, %arg1: i32, %arg2: memref<50x4096xi32, #tpu.memory_space<hbm>>, %arg3: memref<100000x64xf32, #tpu.memory_space<hbm>>, %arg4: memref<50x4096x128xf32, #tpu.memory_space<hbm>>, %arg5: memref<50x128xi32, #tpu.memory_space<vmem>>, %arg6: memref<5x128x64xf32, #tpu.memory_space<vmem>>, %arg7: memref<!tpu.dma_semaphore, #tpu.memory_space<semaphore_mem>>, %arg8: memref<!tpu.dma_semaphore, #tpu.memory_space<semaphore_mem>>, %arg9: memref<!tpu.dma_semaphore, #tpu.memory_space<semaphore_mem>>, %arg10: memref<!tpu.dma_semaphore, #tpu.memory_space<semaphore_mem>>, %arg11: memref<!tpu.dma_semaphore, #tpu.memory_space<semaphore_mem>>, %arg12: memref<!tpu.dma_semaphore, #tpu.memory_space<semaphore_mem>>, %arg13: memref<!tpu.dma_semaphore, #tpu.memory_space<semaphore_mem>>, %arg14: memref<!tpu.dma_semaphore, #tpu.memory_space<semaphore_mem>>, %arg15: memref<!tpu.dma_semaphore, #tpu.memory_space<semaphore_mem>>, %arg16: memref<!tpu.dma_semaphore, #tpu.memory_space<semaphore_mem>>) attributes {dimension_semantics = [#tpu.dimension_semantics<core_parallel>, #tpu.dimension_semantics<subcore_parallel>], iteration_bounds = array<i64: 2, 16>, scalar_prefetch = 0 : i64, scratch_operands = 12 : i64, tpu.core_type = #tpu.core_type<sc_vector_subcore>, window_params = [{transform_indices = #map}, {transform_indices = #map}, {transform_indices = #map1}]} {
    %mul3A = arith.constant 2 : i32
    %mul3A_0 = arith.muli %arg1, %mul3A : i32
    %add3A = arith.addi %mul3A_0, %arg0 : i32
    %mul3A_1 = arith.constant 128 : i32
    %mul3A_2 = arith.muli %add3A, %mul3A_1 : i32
    "tpu.region"() ({
      %run_scoped3A = tpu.sem_alloc : memref<!tpu.dma_semaphore, #tpu.memory_space<semaphore_mem>>
      %dma_start3A_175 = arith.constant 0 : i32
      %dma_start3A_176 = tpu.memref_slice %arg2[%dma_start3A_175, %mul3A_2] : memref<50x4096xi32, #tpu.memory_space<hbm>> -> memref<50x128xi32, #tpu.memory_space<hbm>>
      %dma_start3A_177 = arith.constant 0 : i32
      %dma_start3A_178 = tpu.memref_slice %arg2[%dma_start3A_177, %mul3A_2] : memref<50x4096xi32, #tpu.memory_space<hbm>> -> memref<50x128xi32, #tpu.memory_space<hbm>>
      tpu.enqueue_dma source(%dma_start3A_178 : memref<50x128xi32, #tpu.memory_space<hbm>>) target(%arg5 : memref<50x128xi32, #tpu.memory_space<vmem>>) target_semaphore(%run_scoped3A : memref<!tpu.dma_semaphore, #tpu.memory_space<semaphore_mem>>)
      %dma_wait3A_179 = arith.constant 0 : i32
      %dma_wait3A_180 = tpu.memref_slice %arg2[%dma_wait3A_179, %mul3A_2] : memref<50x4096xi32, #tpu.memory_space<hbm>> -> memref<50x128xi32, #tpu.memory_space<hbm>>
      %dma_wait3A_181 = arith.constant 0 : i32
      %dma_wait3A_182 = tpu.memref_slice %arg2[%dma_wait3A_181, %mul3A_2] : memref<50x4096xi32, #tpu.memory_space<hbm>> -> memref<50x128xi32, #tpu.memory_space<hbm>>
      tpu.wait_dma2 semaphore(%run_scoped3A : memref<!tpu.dma_semaphore, #tpu.memory_space<semaphore_mem>>) src(%dma_wait3A_182 : memref<50x128xi32, #tpu.memory_space<hbm>>) dst(%arg5 : memref<50x128xi32, #tpu.memory_space<vmem>>)
      tpu.yield
    }) : () -> ()
    %dma_start3A = arith.constant 0 : i32
    %dma_start3A_3 = arith.constant 0 : i32
    %dma_start3A_4 = arith.constant 0 : i32
    %dma_start3A_5 = arith.constant 0 : i32
    %dma_start3A_6 = tpu.memref_slice %arg6[%dma_start3A_3, %dma_start3A_4, %dma_start3A_5] : memref<5x128x64xf32, #tpu.memory_space<vmem>> -> memref<1x128x64xf32, #tpu.memory_space<vmem>>
    %dma_start3A_7 = tpu.memref_squeeze %dma_start3A_6 : memref<1x128x64xf32, #tpu.memory_space<vmem>> -> memref<128x64xf32, #tpu.memory_space<vmem>>
    %dma_start3A_8 = arith.constant 0 : i32
    %dma_start3A_9 = tpu.memref_slice %arg5[%dma_start3A, %dma_start3A_8] : memref<50x128xi32, #tpu.memory_space<vmem>> -> memref<1x128xi32, #tpu.memory_space<vmem>>
    %dma_start3A_10 = tpu.memref_squeeze %dma_start3A_9 : memref<1x128xi32, #tpu.memory_space<vmem>> -> memref<128xi32, #tpu.memory_space<vmem>>
    %dma_start3A_11 = arith.constant 0 : i32
    %dma_start3A_12 = arith.constant 0 : i32
    %dma_start3A_13 = tpu.memref_slice %arg3[%dma_start3A_11, %dma_start3A_12] : memref<100000x64xf32, #tpu.memory_space<hbm>> -> memref<100000x64xf32, #tpu.memory_space<hbm>>
    tpu.enqueue_indirect_dma source(%dma_start3A_13 : memref<100000x64xf32, #tpu.memory_space<hbm>>) target(%dma_start3A_7 : memref<128x64xf32, #tpu.memory_space<vmem>>) offsets(%dma_start3A_10 : memref<128xi32, #tpu.memory_space<vmem>>) semaphore(%arg7 : memref<!tpu.dma_semaphore, #tpu.memory_space<semaphore_mem>>)
    %dma_start3A_14 = arith.constant 1 : i32
    %dma_start3A_15 = arith.constant 1 : i32
    %dma_start3A_16 = arith.constant 0 : i32
    %dma_start3A_17 = arith.constant 0 : i32
    %dma_start3A_18 = tpu.memref_slice %arg6[%dma_start3A_15, %dma_start3A_16, %dma_start3A_17] : memref<5x128x64xf32, #tpu.memory_space<vmem>> -> memref<1x128x64xf32, #tpu.memory_space<vmem>>
    %dma_start3A_19 = tpu.memref_squeeze %dma_start3A_18 : memref<1x128x64xf32, #tpu.memory_space<vmem>> -> memref<128x64xf32, #tpu.memory_space<vmem>>
    %dma_start3A_20 = arith.constant 0 : i32
    %dma_start3A_21 = tpu.memref_slice %arg5[%dma_start3A_14, %dma_start3A_20] : memref<50x128xi32, #tpu.memory_space<vmem>> -> memref<1x128xi32, #tpu.memory_space<vmem>>
    %dma_start3A_22 = tpu.memref_squeeze %dma_start3A_21 : memref<1x128xi32, #tpu.memory_space<vmem>> -> memref<128xi32, #tpu.memory_space<vmem>>
    %dma_start3A_23 = arith.constant 0 : i32
    %dma_start3A_24 = arith.constant 0 : i32
    %dma_start3A_25 = tpu.memref_slice %arg3[%dma_start3A_23, %dma_start3A_24] : memref<100000x64xf32, #tpu.memory_space<hbm>> -> memref<100000x64xf32, #tpu.memory_space<hbm>>
    tpu.enqueue_indirect_dma source(%dma_start3A_25 : memref<100000x64xf32, #tpu.memory_space<hbm>>) target(%dma_start3A_19 : memref<128x64xf32, #tpu.memory_space<vmem>>) offsets(%dma_start3A_22 : memref<128xi32, #tpu.memory_space<vmem>>) semaphore(%arg8 : memref<!tpu.dma_semaphore, #tpu.memory_space<semaphore_mem>>)
    %dma_start3A_26 = arith.constant 2 : i32
    %dma_start3A_27 = arith.constant 2 : i32
    %dma_start3A_28 = arith.constant 0 : i32
    %dma_start3A_29 = arith.constant 0 : i32
    %dma_start3A_30 = tpu.memref_slice %arg6[%dma_start3A_27, %dma_start3A_28, %dma_start3A_29] : memref<5x128x64xf32, #tpu.memory_space<vmem>> -> memref<1x128x64xf32, #tpu.memory_space<vmem>>
    %dma_start3A_31 = tpu.memref_squeeze %dma_start3A_30 : memref<1x128x64xf32, #tpu.memory_space<vmem>> -> memref<128x64xf32, #tpu.memory_space<vmem>>
    %dma_start3A_32 = arith.constant 0 : i32
    %dma_start3A_33 = tpu.memref_slice %arg5[%dma_start3A_26, %dma_start3A_32] : memref<50x128xi32, #tpu.memory_space<vmem>> -> memref<1x128xi32, #tpu.memory_space<vmem>>
    %dma_start3A_34 = tpu.memref_squeeze %dma_start3A_33 : memref<1x128xi32, #tpu.memory_space<vmem>> -> memref<128xi32, #tpu.memory_space<vmem>>
    %dma_start3A_35 = arith.constant 0 : i32
    %dma_start3A_36 = arith.constant 0 : i32
    %dma_start3A_37 = tpu.memref_slice %arg3[%dma_start3A_35, %dma_start3A_36] : memref<100000x64xf32, #tpu.memory_space<hbm>> -> memref<100000x64xf32, #tpu.memory_space<hbm>>
    tpu.enqueue_indirect_dma source(%dma_start3A_37 : memref<100000x64xf32, #tpu.memory_space<hbm>>) target(%dma_start3A_31 : memref<128x64xf32, #tpu.memory_space<vmem>>) offsets(%dma_start3A_34 : memref<128xi32, #tpu.memory_space<vmem>>) semaphore(%arg9 : memref<!tpu.dma_semaphore, #tpu.memory_space<semaphore_mem>>)
    %dma_start3A_38 = arith.constant 3 : i32
    %dma_start3A_39 = arith.constant 3 : i32
    %dma_start3A_40 = arith.constant 0 : i32
    %dma_start3A_41 = arith.constant 0 : i32
    %dma_start3A_42 = tpu.memref_slice %arg6[%dma_start3A_39, %dma_start3A_40, %dma_start3A_41] : memref<5x128x64xf32, #tpu.memory_space<vmem>> -> memref<1x128x64xf32, #tpu.memory_space<vmem>>
    %dma_start3A_43 = tpu.memref_squeeze %dma_start3A_42 : memref<1x128x64xf32, #tpu.memory_space<vmem>> -> memref<128x64xf32, #tpu.memory_space<vmem>>
    %dma_start3A_44 = arith.constant 0 : i32
    %dma_start3A_45 = tpu.memref_slice %arg5[%dma_start3A_38, %dma_start3A_44] : memref<50x128xi32, #tpu.memory_space<vmem>> -> memref<1x128xi32, #tpu.memory_space<vmem>>
    %dma_start3A_46 = tpu.memref_squeeze %dma_start3A_45 : memref<1x128xi32, #tpu.memory_space<vmem>> -> memref<128xi32, #tpu.memory_space<vmem>>
    %dma_start3A_47 = arith.constant 0 : i32
    %dma_start3A_48 = arith.constant 0 : i32
    %dma_start3A_49 = tpu.memref_slice %arg3[%dma_start3A_47, %dma_start3A_48] : memref<100000x64xf32, #tpu.memory_space<hbm>> -> memref<100000x64xf32, #tpu.memory_space<hbm>>
    tpu.enqueue_indirect_dma source(%dma_start3A_49 : memref<100000x64xf32, #tpu.memory_space<hbm>>) target(%dma_start3A_43 : memref<128x64xf32, #tpu.memory_space<vmem>>) offsets(%dma_start3A_46 : memref<128xi32, #tpu.memory_space<vmem>>) semaphore(%arg10 : memref<!tpu.dma_semaphore, #tpu.memory_space<semaphore_mem>>)
    %dma_start3A_50 = arith.constant 4 : i32
    %dma_start3A_51 = arith.constant 4 : i32
    %dma_start3A_52 = arith.constant 0 : i32
    %dma_start3A_53 = arith.constant 0 : i32
    %dma_start3A_54 = tpu.memref_slice %arg6[%dma_start3A_51, %dma_start3A_52, %dma_start3A_53] : memref<5x128x64xf32, #tpu.memory_space<vmem>> -> memref<1x128x64xf32, #tpu.memory_space<vmem>>
    %dma_start3A_55 = tpu.memref_squeeze %dma_start3A_54 : memref<1x128x64xf32, #tpu.memory_space<vmem>> -> memref<128x64xf32, #tpu.memory_space<vmem>>
    %dma_start3A_56 = arith.constant 0 : i32
    %dma_start3A_57 = tpu.memref_slice %arg5[%dma_start3A_50, %dma_start3A_56] : memref<50x128xi32, #tpu.memory_space<vmem>> -> memref<1x128xi32, #tpu.memory_space<vmem>>
    %dma_start3A_58 = tpu.memref_squeeze %dma_start3A_57 : memref<1x128xi32, #tpu.memory_space<vmem>> -> memref<128xi32, #tpu.memory_space<vmem>>
    %dma_start3A_59 = arith.constant 0 : i32
    %dma_start3A_60 = arith.constant 0 : i32
    %dma_start3A_61 = tpu.memref_slice %arg3[%dma_start3A_59, %dma_start3A_60] : memref<100000x64xf32, #tpu.memory_space<hbm>> -> memref<100000x64xf32, #tpu.memory_space<hbm>>
    tpu.enqueue_indirect_dma source(%dma_start3A_61 : memref<100000x64xf32, #tpu.memory_space<hbm>>) target(%dma_start3A_55 : memref<128x64xf32, #tpu.memory_space<vmem>>) offsets(%dma_start3A_58 : memref<128xi32, #tpu.memory_space<vmem>>) semaphore(%arg11 : memref<!tpu.dma_semaphore, #tpu.memory_space<semaphore_mem>>)
    %scan3A = arith.constant 0 : i32
    %scan3A_62 = arith.constant 10 : i32
    %scan3A_63 = arith.addi %scan3A, %scan3A_62 : i32
    %scan3A_64 = arith.constant 1 : i32
    scf.for %scan3A_175 = %scan3A to %scan3A_63 step %scan3A_64  : i32 {
      %mul3A_176 = arith.constant 5 : i32
      %mul3A_177 = arith.muli %mul3A_176, %scan3A_175 : i32
      %add3A_178 = arith.constant 0 : i32
      %add3A_179 = arith.addi %mul3A_177, %add3A_178 : i32
      %dma_wait3A_180 = arith.constant 0 : i32
      %dma_wait3A_181 = arith.constant 0 : i32
      %dma_wait3A_182 = arith.constant 0 : i32
      %dma_wait3A_183 = tpu.memref_slice %arg6[%dma_wait3A_180, %dma_wait3A_181, %dma_wait3A_182] : memref<5x128x64xf32, #tpu.memory_space<vmem>> -> memref<1x128x64xf32, #tpu.memory_space<vmem>>
      %dma_wait3A_184 = tpu.memref_squeeze %dma_wait3A_183 : memref<1x128x64xf32, #tpu.memory_space<vmem>> -> memref<128x64xf32, #tpu.memory_space<vmem>>
      %dma_wait3A_185 = arith.constant 0 : i32
      %dma_wait3A_186 = tpu.memref_slice %arg5[%add3A_179, %dma_wait3A_185] : memref<50x128xi32, #tpu.memory_space<vmem>> -> memref<1x128xi32, #tpu.memory_space<vmem>>
      %dma_wait3A_187 = tpu.memref_squeeze %dma_wait3A_186 : memref<1x128xi32, #tpu.memory_space<vmem>> -> memref<128xi32, #tpu.memory_space<vmem>>
      %dma_wait3A_188 = arith.constant 0 : i32
      %dma_wait3A_189 = arith.constant 0 : i32
      %dma_wait3A_190 = tpu.memref_slice %arg3[%dma_wait3A_188, %dma_wait3A_189] : memref<100000x64xf32, #tpu.memory_space<hbm>> -> memref<100000x64xf32, #tpu.memory_space<hbm>>
      tpu.wait_indirect_dma semaphore(%arg7 : memref<!tpu.dma_semaphore, #tpu.memory_space<semaphore_mem>>) src(%dma_wait3A_190 : memref<100000x64xf32, #tpu.memory_space<hbm>>) dst(%dma_wait3A_184 : memref<128x64xf32, #tpu.memory_space<vmem>>)
      %dma_start3A_191 = arith.constant 0 : i32
      %dma_start3A_192 = arith.constant 0 : i32
      %dma_start3A_193 = arith.constant 0 : i32
      %dma_start3A_194 = tpu.memref_slice %arg6[%dma_start3A_191, %dma_start3A_192, %dma_start3A_193] : memref<5x128x64xf32, #tpu.memory_space<vmem>> -> memref<1x128x64xf32, #tpu.memory_space<vmem>>
      %dma_start3A_195 = tpu.memref_squeeze %dma_start3A_194 : memref<1x128x64xf32, #tpu.memory_space<vmem>> -> memref<128x64xf32, #tpu.memory_space<vmem>>
      %dma_start3A_196 = arith.constant 0 : i32
      %dma_start3A_197 = arith.constant 0 : i32
      %dma_start3A_198 = tpu.memref_slice %arg4[%add3A_179, %dma_start3A_196, %dma_start3A_197] : memref<50x4096x128xf32, #tpu.memory_space<hbm>> -> memref<1x4096x128xf32, #tpu.memory_space<hbm>>
      %dma_start3A_199 = tpu.memref_squeeze %dma_start3A_198 : memref<1x4096x128xf32, #tpu.memory_space<hbm>> -> memref<4096x128xf32, #tpu.memory_space<hbm>>
      %dma_start3A_200 = arith.constant 0 : i32
      %dma_start3A_201 = tpu.memref_slice %dma_start3A_199[%mul3A_2, %dma_start3A_200] : memref<4096x128xf32, #tpu.memory_space<hbm>> -> memref<128x64xf32, #tpu.memory_space<hbm>>
      %dma_start3A_202 = arith.constant 0 : i32
      %dma_start3A_203 = arith.constant 0 : i32
      %dma_start3A_204 = tpu.memref_slice %arg4[%add3A_179, %dma_start3A_202, %dma_start3A_203] : memref<50x4096x128xf32, #tpu.memory_space<hbm>> -> memref<1x4096x128xf32, #tpu.memory_space<hbm>>
      %dma_start3A_205 = tpu.memref_squeeze %dma_start3A_204 : memref<1x4096x128xf32, #tpu.memory_space<hbm>> -> memref<4096x128xf32, #tpu.memory_space<hbm>>
      %dma_start3A_206 = arith.constant 0 : i32
      %dma_start3A_207 = tpu.memref_slice %dma_start3A_205[%mul3A_2, %dma_start3A_206] : memref<4096x128xf32, #tpu.memory_space<hbm>> -> memref<128x64xf32, #tpu.memory_space<hbm>>
      %dma_start3A_208 = arith.constant 0 : i32
      %dma_start3A_209 = arith.constant 0 : i32
      %dma_start3A_210 = tpu.memref_slice %arg6[%dma_start3A_191, %dma_start3A_208, %dma_start3A_209] : memref<5x128x64xf32, #tpu.memory_space<vmem>> -> memref<1x128x64xf32, #tpu.memory_space<vmem>>
      %dma_start3A_211 = tpu.memref_squeeze %dma_start3A_210 : memref<1x128x64xf32, #tpu.memory_space<vmem>> -> memref<128x64xf32, #tpu.memory_space<vmem>>
      tpu.enqueue_dma source(%dma_start3A_211 : memref<128x64xf32, #tpu.memory_space<vmem>>) target(%dma_start3A_207 : memref<128x64xf32, #tpu.memory_space<hbm>>) target_semaphore(%arg12 : memref<!tpu.dma_semaphore, #tpu.memory_space<semaphore_mem>>)
      %add3A_212 = arith.constant 5 : i32
      %add3A_213 = arith.addi %add3A_179, %add3A_212 : i32
      %lt3A = arith.constant 50 : i32
      %lt3A_214 = arith.cmpi slt, %add3A_213, %lt3A : i32
      %convert_element_type3A = arith.extui %lt3A_214 : i1 to i32
      %cond3A = arith.constant 0 : i32
      %cond3A_215 = arith.cmpi ne, %convert_element_type3A, %cond3A : i32
      scf.if %cond3A_215 {
        %dma_wait3A_388 = arith.constant 0 : i32
        %dma_wait3A_389 = arith.constant 0 : i32
        %dma_wait3A_390 = arith.constant 0 : i32
        %dma_wait3A_391 = tpu.memref_slice %arg6[%dma_wait3A_388, %dma_wait3A_389, %dma_wait3A_390] : memref<5x128x64xf32, #tpu.memory_space<vmem>> -> memref<1x128x64xf32, #tpu.memory_space<vmem>>
        %dma_wait3A_392 = tpu.memref_squeeze %dma_wait3A_391 : memref<1x128x64xf32, #tpu.memory_space<vmem>> -> memref<128x64xf32, #tpu.memory_space<vmem>>
        %dma_wait3A_393 = arith.constant 0 : i32
        %dma_wait3A_394 = arith.constant 0 : i32
        %dma_wait3A_395 = tpu.memref_slice %arg4[%add3A_179, %dma_wait3A_393, %dma_wait3A_394] : memref<50x4096x128xf32, #tpu.memory_space<hbm>> -> memref<1x4096x128xf32, #tpu.memory_space<hbm>>
        %dma_wait3A_396 = tpu.memref_squeeze %dma_wait3A_395 : memref<1x4096x128xf32, #tpu.memory_space<hbm>> -> memref<4096x128xf32, #tpu.memory_space<hbm>>
        %dma_wait3A_397 = arith.constant 0 : i32
        %dma_wait3A_398 = tpu.memref_slice %dma_wait3A_396[%mul3A_2, %dma_wait3A_397] : memref<4096x128xf32, #tpu.memory_space<hbm>> -> memref<128x64xf32, #tpu.memory_space<hbm>>
        %dma_wait3A_399 = arith.constant 0 : i32
        %dma_wait3A_400 = arith.constant 0 : i32
        %dma_wait3A_401 = tpu.memref_slice %arg4[%add3A_179, %dma_wait3A_399, %dma_wait3A_400] : memref<50x4096x128xf32, #tpu.memory_space<hbm>> -> memref<1x4096x128xf32, #tpu.memory_space<hbm>>
        %dma_wait3A_402 = tpu.memref_squeeze %dma_wait3A_401 : memref<1x4096x128xf32, #tpu.memory_space<hbm>> -> memref<4096x128xf32, #tpu.memory_space<hbm>>
        %dma_wait3A_403 = arith.constant 0 : i32
        %dma_wait3A_404 = tpu.memref_slice %dma_wait3A_402[%mul3A_2, %dma_wait3A_403] : memref<4096x128xf32, #tpu.memory_space<hbm>> -> memref<128x64xf32, #tpu.memory_space<hbm>>
        %dma_wait3A_405 = arith.constant 0 : i32
        %dma_wait3A_406 = arith.constant 0 : i32
        %dma_wait3A_407 = tpu.memref_slice %arg6[%dma_wait3A_388, %dma_wait3A_405, %dma_wait3A_406] : memref<5x128x64xf32, #tpu.memory_space<vmem>> -> memref<1x128x64xf32, #tpu.memory_space<vmem>>
        %dma_wait3A_408 = tpu.memref_squeeze %dma_wait3A_407 : memref<1x128x64xf32, #tpu.memory_space<vmem>> -> memref<128x64xf32, #tpu.memory_space<vmem>>
        tpu.wait_dma2 semaphore(%arg12 : memref<!tpu.dma_semaphore, #tpu.memory_space<semaphore_mem>>) src(%dma_wait3A_408 : memref<128x64xf32, #tpu.memory_space<vmem>>) dst(%dma_wait3A_404 : memref<128x64xf32, #tpu.memory_space<hbm>>)
        %add3A_409 = arith.constant 5 : i32
        %add3A_410 = arith.addi %add3A_179, %add3A_409 : i32
        %dma_start3A_411 = arith.constant 0 : i32
        %dma_start3A_412 = arith.constant 0 : i32
        %dma_start3A_413 = arith.constant 0 : i32
        %dma_start3A_414 = tpu.memref_slice %arg6[%dma_start3A_411, %dma_start3A_412, %dma_start3A_413] : memref<5x128x64xf32, #tpu.memory_space<vmem>> -> memref<1x128x64xf32, #tpu.memory_space<vmem>>
        %dma_start3A_415 = tpu.memref_squeeze %dma_start3A_414 : memref<1x128x64xf32, #tpu.memory_space<vmem>> -> memref<128x64xf32, #tpu.memory_space<vmem>>
        %dma_start3A_416 = arith.constant 0 : i32
        %dma_start3A_417 = tpu.memref_slice %arg5[%add3A_410, %dma_start3A_416] : memref<50x128xi32, #tpu.memory_space<vmem>> -> memref<1x128xi32, #tpu.memory_space<vmem>>
        %dma_start3A_418 = tpu.memref_squeeze %dma_start3A_417 : memref<1x128xi32, #tpu.memory_space<vmem>> -> memref<128xi32, #tpu.memory_space<vmem>>
        %dma_start3A_419 = arith.constant 0 : i32
        %dma_start3A_420 = arith.constant 0 : i32
        %dma_start3A_421 = tpu.memref_slice %arg3[%dma_start3A_419, %dma_start3A_420] : memref<100000x64xf32, #tpu.memory_space<hbm>> -> memref<100000x64xf32, #tpu.memory_space<hbm>>
        tpu.enqueue_indirect_dma source(%dma_start3A_421 : memref<100000x64xf32, #tpu.memory_space<hbm>>) target(%dma_start3A_415 : memref<128x64xf32, #tpu.memory_space<vmem>>) offsets(%dma_start3A_418 : memref<128xi32, #tpu.memory_space<vmem>>) semaphore(%arg7 : memref<!tpu.dma_semaphore, #tpu.memory_space<semaphore_mem>>)
      } else {
      }
      %mul3A_216 = arith.constant 5 : i32
      %mul3A_217 = arith.muli %mul3A_216, %scan3A_175 : i32
      %add3A_218 = arith.constant 1 : i32
      %add3A_219 = arith.addi %mul3A_217, %add3A_218 : i32
      %dma_wait3A_220 = arith.constant 1 : i32
      %dma_wait3A_221 = arith.constant 0 : i32
      %dma_wait3A_222 = arith.constant 0 : i32
      %dma_wait3A_223 = tpu.memref_slice %arg6[%dma_wait3A_220, %dma_wait3A_221, %dma_wait3A_222] : memref<5x128x64xf32, #tpu.memory_space<vmem>> -> memref<1x128x64xf32, #tpu.memory_space<vmem>>
      %dma_wait3A_224 = tpu.memref_squeeze %dma_wait3A_223 : memref<1x128x64xf32, #tpu.memory_space<vmem>> -> memref<128x64xf32, #tpu.memory_space<vmem>>
      %dma_wait3A_225 = arith.constant 0 : i32
      %dma_wait3A_226 = tpu.memref_slice %arg5[%add3A_219, %dma_wait3A_225] : memref<50x128xi32, #tpu.memory_space<vmem>> -> memref<1x128xi32, #tpu.memory_space<vmem>>
      %dma_wait3A_227 = tpu.memref_squeeze %dma_wait3A_226 : memref<1x128xi32, #tpu.memory_space<vmem>> -> memref<128xi32, #tpu.memory_space<vmem>>
      %dma_wait3A_228 = arith.constant 0 : i32
      %dma_wait3A_229 = arith.constant 0 : i32
      %dma_wait3A_230 = tpu.memref_slice %arg3[%dma_wait3A_228, %dma_wait3A_229] : memref<100000x64xf32, #tpu.memory_space<hbm>> -> memref<100000x64xf32, #tpu.memory_space<hbm>>
      tpu.wait_indirect_dma semaphore(%arg8 : memref<!tpu.dma_semaphore, #tpu.memory_space<semaphore_mem>>) src(%dma_wait3A_230 : memref<100000x64xf32, #tpu.memory_space<hbm>>) dst(%dma_wait3A_224 : memref<128x64xf32, #tpu.memory_space<vmem>>)
      %dma_start3A_231 = arith.constant 1 : i32
      %dma_start3A_232 = arith.constant 0 : i32
      %dma_start3A_233 = arith.constant 0 : i32
      %dma_start3A_234 = tpu.memref_slice %arg6[%dma_start3A_231, %dma_start3A_232, %dma_start3A_233] : memref<5x128x64xf32, #tpu.memory_space<vmem>> -> memref<1x128x64xf32, #tpu.memory_space<vmem>>
      %dma_start3A_235 = tpu.memref_squeeze %dma_start3A_234 : memref<1x128x64xf32, #tpu.memory_space<vmem>> -> memref<128x64xf32, #tpu.memory_space<vmem>>
      %dma_start3A_236 = arith.constant 0 : i32
      %dma_start3A_237 = arith.constant 0 : i32
      %dma_start3A_238 = tpu.memref_slice %arg4[%add3A_219, %dma_start3A_236, %dma_start3A_237] : memref<50x4096x128xf32, #tpu.memory_space<hbm>> -> memref<1x4096x128xf32, #tpu.memory_space<hbm>>
      %dma_start3A_239 = tpu.memref_squeeze %dma_start3A_238 : memref<1x4096x128xf32, #tpu.memory_space<hbm>> -> memref<4096x128xf32, #tpu.memory_space<hbm>>
      %dma_start3A_240 = arith.constant 0 : i32
      %dma_start3A_241 = tpu.memref_slice %dma_start3A_239[%mul3A_2, %dma_start3A_240] : memref<4096x128xf32, #tpu.memory_space<hbm>> -> memref<128x64xf32, #tpu.memory_space<hbm>>
      %dma_start3A_242 = arith.constant 0 : i32
      %dma_start3A_243 = arith.constant 0 : i32
      %dma_start3A_244 = tpu.memref_slice %arg4[%add3A_219, %dma_start3A_242, %dma_start3A_243] : memref<50x4096x128xf32, #tpu.memory_space<hbm>> -> memref<1x4096x128xf32, #tpu.memory_space<hbm>>
      %dma_start3A_245 = tpu.memref_squeeze %dma_start3A_244 : memref<1x4096x128xf32, #tpu.memory_space<hbm>> -> memref<4096x128xf32, #tpu.memory_space<hbm>>
      %dma_start3A_246 = arith.constant 0 : i32
      %dma_start3A_247 = tpu.memref_slice %dma_start3A_245[%mul3A_2, %dma_start3A_246] : memref<4096x128xf32, #tpu.memory_space<hbm>> -> memref<128x64xf32, #tpu.memory_space<hbm>>
      %dma_start3A_248 = arith.constant 0 : i32
      %dma_start3A_249 = arith.constant 0 : i32
      %dma_start3A_250 = tpu.memref_slice %arg6[%dma_start3A_231, %dma_start3A_248, %dma_start3A_249] : memref<5x128x64xf32, #tpu.memory_space<vmem>> -> memref<1x128x64xf32, #tpu.memory_space<vmem>>
      %dma_start3A_251 = tpu.memref_squeeze %dma_start3A_250 : memref<1x128x64xf32, #tpu.memory_space<vmem>> -> memref<128x64xf32, #tpu.memory_space<vmem>>
      tpu.enqueue_dma source(%dma_start3A_251 : memref<128x64xf32, #tpu.memory_space<vmem>>) target(%dma_start3A_247 : memref<128x64xf32, #tpu.memory_space<hbm>>) target_semaphore(%arg13 : memref<!tpu.dma_semaphore, #tpu.memory_space<semaphore_mem>>)
      %add3A_252 = arith.constant 5 : i32
      %add3A_253 = arith.addi %add3A_219, %add3A_252 : i32
      %lt3A_254 = arith.constant 50 : i32
      %lt3A_255 = arith.cmpi slt, %add3A_253, %lt3A_254 : i32
      %convert_element_type3A_256 = arith.extui %lt3A_255 : i1 to i32
      %cond3A_257 = arith.constant 0 : i32
      %cond3A_258 = arith.cmpi ne, %convert_element_type3A_256, %cond3A_257 : i32
      scf.if %cond3A_258 {
        %dma_wait3A_388 = arith.constant 1 : i32
        %dma_wait3A_389 = arith.constant 0 : i32
        %dma_wait3A_390 = arith.constant 0 : i32
        %dma_wait3A_391 = tpu.memref_slice %arg6[%dma_wait3A_388, %dma_wait3A_389, %dma_wait3A_390] : memref<5x128x64xf32, #tpu.memory_space<vmem>> -> memref<1x128x64xf32, #tpu.memory_space<vmem>>
        %dma_wait3A_392 = tpu.memref_squeeze %dma_wait3A_391 : memref<1x128x64xf32, #tpu.memory_space<vmem>> -> memref<128x64xf32, #tpu.memory_space<vmem>>
        %dma_wait3A_393 = arith.constant 0 : i32
        %dma_wait3A_394 = arith.constant 0 : i32
        %dma_wait3A_395 = tpu.memref_slice %arg4[%add3A_219, %dma_wait3A_393, %dma_wait3A_394] : memref<50x4096x128xf32, #tpu.memory_space<hbm>> -> memref<1x4096x128xf32, #tpu.memory_space<hbm>>
        %dma_wait3A_396 = tpu.memref_squeeze %dma_wait3A_395 : memref<1x4096x128xf32, #tpu.memory_space<hbm>> -> memref<4096x128xf32, #tpu.memory_space<hbm>>
        %dma_wait3A_397 = arith.constant 0 : i32
        %dma_wait3A_398 = tpu.memref_slice %dma_wait3A_396[%mul3A_2, %dma_wait3A_397] : memref<4096x128xf32, #tpu.memory_space<hbm>> -> memref<128x64xf32, #tpu.memory_space<hbm>>
        %dma_wait3A_399 = arith.constant 0 : i32
        %dma_wait3A_400 = arith.constant 0 : i32
        %dma_wait3A_401 = tpu.memref_slice %arg4[%add3A_219, %dma_wait3A_399, %dma_wait3A_400] : memref<50x4096x128xf32, #tpu.memory_space<hbm>> -> memref<1x4096x128xf32, #tpu.memory_space<hbm>>
        %dma_wait3A_402 = tpu.memref_squeeze %dma_wait3A_401 : memref<1x4096x128xf32, #tpu.memory_space<hbm>> -> memref<4096x128xf32, #tpu.memory_space<hbm>>
        %dma_wait3A_403 = arith.constant 0 : i32
        %dma_wait3A_404 = tpu.memref_slice %dma_wait3A_402[%mul3A_2, %dma_wait3A_403] : memref<4096x128xf32, #tpu.memory_space<hbm>> -> memref<128x64xf32, #tpu.memory_space<hbm>>
        %dma_wait3A_405 = arith.constant 0 : i32
        %dma_wait3A_406 = arith.constant 0 : i32
        %dma_wait3A_407 = tpu.memref_slice %arg6[%dma_wait3A_388, %dma_wait3A_405, %dma_wait3A_406] : memref<5x128x64xf32, #tpu.memory_space<vmem>> -> memref<1x128x64xf32, #tpu.memory_space<vmem>>
        %dma_wait3A_408 = tpu.memref_squeeze %dma_wait3A_407 : memref<1x128x64xf32, #tpu.memory_space<vmem>> -> memref<128x64xf32, #tpu.memory_space<vmem>>
        tpu.wait_dma2 semaphore(%arg13 : memref<!tpu.dma_semaphore, #tpu.memory_space<semaphore_mem>>) src(%dma_wait3A_408 : memref<128x64xf32, #tpu.memory_space<vmem>>) dst(%dma_wait3A_404 : memref<128x64xf32, #tpu.memory_space<hbm>>)
        %add3A_409 = arith.constant 5 : i32
        %add3A_410 = arith.addi %add3A_219, %add3A_409 : i32
        %dma_start3A_411 = arith.constant 1 : i32
        %dma_start3A_412 = arith.constant 0 : i32
        %dma_start3A_413 = arith.constant 0 : i32
        %dma_start3A_414 = tpu.memref_slice %arg6[%dma_start3A_411, %dma_start3A_412, %dma_start3A_413] : memref<5x128x64xf32, #tpu.memory_space<vmem>> -> memref<1x128x64xf32, #tpu.memory_space<vmem>>
        %dma_start3A_415 = tpu.memref_squeeze %dma_start3A_414 : memref<1x128x64xf32, #tpu.memory_space<vmem>> -> memref<128x64xf32, #tpu.memory_space<vmem>>
        %dma_start3A_416 = arith.constant 0 : i32
        %dma_start3A_417 = tpu.memref_slice %arg5[%add3A_410, %dma_start3A_416] : memref<50x128xi32, #tpu.memory_space<vmem>> -> memref<1x128xi32, #tpu.memory_space<vmem>>
        %dma_start3A_418 = tpu.memref_squeeze %dma_start3A_417 : memref<1x128xi32, #tpu.memory_space<vmem>> -> memref<128xi32, #tpu.memory_space<vmem>>
        %dma_start3A_419 = arith.constant 0 : i32
        %dma_start3A_420 = arith.constant 0 : i32
        %dma_start3A_421 = tpu.memref_slice %arg3[%dma_start3A_419, %dma_start3A_420] : memref<100000x64xf32, #tpu.memory_space<hbm>> -> memref<100000x64xf32, #tpu.memory_space<hbm>>
        tpu.enqueue_indirect_dma source(%dma_start3A_421 : memref<100000x64xf32, #tpu.memory_space<hbm>>) target(%dma_start3A_415 : memref<128x64xf32, #tpu.memory_space<vmem>>) offsets(%dma_start3A_418 : memref<128xi32, #tpu.memory_space<vmem>>) semaphore(%arg8 : memref<!tpu.dma_semaphore, #tpu.memory_space<semaphore_mem>>)
      } else {
      }
      %mul3A_259 = arith.constant 5 : i32
      %mul3A_260 = arith.muli %mul3A_259, %scan3A_175 : i32
      %add3A_261 = arith.constant 2 : i32
      %add3A_262 = arith.addi %mul3A_260, %add3A_261 : i32
      %dma_wait3A_263 = arith.constant 2 : i32
      %dma_wait3A_264 = arith.constant 0 : i32
      %dma_wait3A_265 = arith.constant 0 : i32
      %dma_wait3A_266 = tpu.memref_slice %arg6[%dma_wait3A_263, %dma_wait3A_264, %dma_wait3A_265] : memref<5x128x64xf32, #tpu.memory_space<vmem>> -> memref<1x128x64xf32, #tpu.memory_space<vmem>>
      %dma_wait3A_267 = tpu.memref_squeeze %dma_wait3A_266 : memref<1x128x64xf32, #tpu.memory_space<vmem>> -> memref<128x64xf32, #tpu.memory_space<vmem>>
      %dma_wait3A_268 = arith.constant 0 : i32
      %dma_wait3A_269 = tpu.memref_slice %arg5[%add3A_262, %dma_wait3A_268] : memref<50x128xi32, #tpu.memory_space<vmem>> -> memref<1x128xi32, #tpu.memory_space<vmem>>
      %dma_wait3A_270 = tpu.memref_squeeze %dma_wait3A_269 : memref<1x128xi32, #tpu.memory_space<vmem>> -> memref<128xi32, #tpu.memory_space<vmem>>
      %dma_wait3A_271 = arith.constant 0 : i32
      %dma_wait3A_272 = arith.constant 0 : i32
      %dma_wait3A_273 = tpu.memref_slice %arg3[%dma_wait3A_271, %dma_wait3A_272] : memref<100000x64xf32, #tpu.memory_space<hbm>> -> memref<100000x64xf32, #tpu.memory_space<hbm>>
      tpu.wait_indirect_dma semaphore(%arg9 : memref<!tpu.dma_semaphore, #tpu.memory_space<semaphore_mem>>) src(%dma_wait3A_273 : memref<100000x64xf32, #tpu.memory_space<hbm>>) dst(%dma_wait3A_267 : memref<128x64xf32, #tpu.memory_space<vmem>>)
      %dma_start3A_274 = arith.constant 2 : i32
      %dma_start3A_275 = arith.constant 0 : i32
      %dma_start3A_276 = arith.constant 0 : i32
      %dma_start3A_277 = tpu.memref_slice %arg6[%dma_start3A_274, %dma_start3A_275, %dma_start3A_276] : memref<5x128x64xf32, #tpu.memory_space<vmem>> -> memref<1x128x64xf32, #tpu.memory_space<vmem>>
      %dma_start3A_278 = tpu.memref_squeeze %dma_start3A_277 : memref<1x128x64xf32, #tpu.memory_space<vmem>> -> memref<128x64xf32, #tpu.memory_space<vmem>>
      %dma_start3A_279 = arith.constant 0 : i32
      %dma_start3A_280 = arith.constant 0 : i32
      %dma_start3A_281 = tpu.memref_slice %arg4[%add3A_262, %dma_start3A_279, %dma_start3A_280] : memref<50x4096x128xf32, #tpu.memory_space<hbm>> -> memref<1x4096x128xf32, #tpu.memory_space<hbm>>
      %dma_start3A_282 = tpu.memref_squeeze %dma_start3A_281 : memref<1x4096x128xf32, #tpu.memory_space<hbm>> -> memref<4096x128xf32, #tpu.memory_space<hbm>>
      %dma_start3A_283 = arith.constant 0 : i32
      %dma_start3A_284 = tpu.memref_slice %dma_start3A_282[%mul3A_2, %dma_start3A_283] : memref<4096x128xf32, #tpu.memory_space<hbm>> -> memref<128x64xf32, #tpu.memory_space<hbm>>
      %dma_start3A_285 = arith.constant 0 : i32
      %dma_start3A_286 = arith.constant 0 : i32
      %dma_start3A_287 = tpu.memref_slice %arg4[%add3A_262, %dma_start3A_285, %dma_start3A_286] : memref<50x4096x128xf32, #tpu.memory_space<hbm>> -> memref<1x4096x128xf32, #tpu.memory_space<hbm>>
      %dma_start3A_288 = tpu.memref_squeeze %dma_start3A_287 : memref<1x4096x128xf32, #tpu.memory_space<hbm>> -> memref<4096x128xf32, #tpu.memory_space<hbm>>
      %dma_start3A_289 = arith.constant 0 : i32
      %dma_start3A_290 = tpu.memref_slice %dma_start3A_288[%mul3A_2, %dma_start3A_289] : memref<4096x128xf32, #tpu.memory_space<hbm>> -> memref<128x64xf32, #tpu.memory_space<hbm>>
      %dma_start3A_291 = arith.constant 0 : i32
      %dma_start3A_292 = arith.constant 0 : i32
      %dma_start3A_293 = tpu.memref_slice %arg6[%dma_start3A_274, %dma_start3A_291, %dma_start3A_292] : memref<5x128x64xf32, #tpu.memory_space<vmem>> -> memref<1x128x64xf32, #tpu.memory_space<vmem>>
      %dma_start3A_294 = tpu.memref_squeeze %dma_start3A_293 : memref<1x128x64xf32, #tpu.memory_space<vmem>> -> memref<128x64xf32, #tpu.memory_space<vmem>>
      tpu.enqueue_dma source(%dma_start3A_294 : memref<128x64xf32, #tpu.memory_space<vmem>>) target(%dma_start3A_290 : memref<128x64xf32, #tpu.memory_space<hbm>>) target_semaphore(%arg14 : memref<!tpu.dma_semaphore, #tpu.memory_space<semaphore_mem>>)
      %add3A_295 = arith.constant 5 : i32
      %add3A_296 = arith.addi %add3A_262, %add3A_295 : i32
      %lt3A_297 = arith.constant 50 : i32
      %lt3A_298 = arith.cmpi slt, %add3A_296, %lt3A_297 : i32
      %convert_element_type3A_299 = arith.extui %lt3A_298 : i1 to i32
      %cond3A_300 = arith.constant 0 : i32
      %cond3A_301 = arith.cmpi ne, %convert_element_type3A_299, %cond3A_300 : i32
      scf.if %cond3A_301 {
        %dma_wait3A_388 = arith.constant 2 : i32
        %dma_wait3A_389 = arith.constant 0 : i32
        %dma_wait3A_390 = arith.constant 0 : i32
        %dma_wait3A_391 = tpu.memref_slice %arg6[%dma_wait3A_388, %dma_wait3A_389, %dma_wait3A_390] : memref<5x128x64xf32, #tpu.memory_space<vmem>> -> memref<1x128x64xf32, #tpu.memory_space<vmem>>
        %dma_wait3A_392 = tpu.memref_squeeze %dma_wait3A_391 : memref<1x128x64xf32, #tpu.memory_space<vmem>> -> memref<128x64xf32, #tpu.memory_space<vmem>>
        %dma_wait3A_393 = arith.constant 0 : i32
        %dma_wait3A_394 = arith.constant 0 : i32
        %dma_wait3A_395 = tpu.memref_slice %arg4[%add3A_262, %dma_wait3A_393, %dma_wait3A_394] : memref<50x4096x128xf32, #tpu.memory_space<hbm>> -> memref<1x4096x128xf32, #tpu.memory_space<hbm>>
        %dma_wait3A_396 = tpu.memref_squeeze %dma_wait3A_395 : memref<1x4096x128xf32, #tpu.memory_space<hbm>> -> memref<4096x128xf32, #tpu.memory_space<hbm>>
        %dma_wait3A_397 = arith.constant 0 : i32
        %dma_wait3A_398 = tpu.memref_slice %dma_wait3A_396[%mul3A_2, %dma_wait3A_397] : memref<4096x128xf32, #tpu.memory_space<hbm>> -> memref<128x64xf32, #tpu.memory_space<hbm>>
        %dma_wait3A_399 = arith.constant 0 : i32
        %dma_wait3A_400 = arith.constant 0 : i32
        %dma_wait3A_401 = tpu.memref_slice %arg4[%add3A_262, %dma_wait3A_399, %dma_wait3A_400] : memref<50x4096x128xf32, #tpu.memory_space<hbm>> -> memref<1x4096x128xf32, #tpu.memory_space<hbm>>
        %dma_wait3A_402 = tpu.memref_squeeze %dma_wait3A_401 : memref<1x4096x128xf32, #tpu.memory_space<hbm>> -> memref<4096x128xf32, #tpu.memory_space<hbm>>
        %dma_wait3A_403 = arith.constant 0 : i32
        %dma_wait3A_404 = tpu.memref_slice %dma_wait3A_402[%mul3A_2, %dma_wait3A_403] : memref<4096x128xf32, #tpu.memory_space<hbm>> -> memref<128x64xf32, #tpu.memory_space<hbm>>
        %dma_wait3A_405 = arith.constant 0 : i32
        %dma_wait3A_406 = arith.constant 0 : i32
        %dma_wait3A_407 = tpu.memref_slice %arg6[%dma_wait3A_388, %dma_wait3A_405, %dma_wait3A_406] : memref<5x128x64xf32, #tpu.memory_space<vmem>> -> memref<1x128x64xf32, #tpu.memory_space<vmem>>
        %dma_wait3A_408 = tpu.memref_squeeze %dma_wait3A_407 : memref<1x128x64xf32, #tpu.memory_space<vmem>> -> memref<128x64xf32, #tpu.memory_space<vmem>>
        tpu.wait_dma2 semaphore(%arg14 : memref<!tpu.dma_semaphore, #tpu.memory_space<semaphore_mem>>) src(%dma_wait3A_408 : memref<128x64xf32, #tpu.memory_space<vmem>>) dst(%dma_wait3A_404 : memref<128x64xf32, #tpu.memory_space<hbm>>)
        %add3A_409 = arith.constant 5 : i32
        %add3A_410 = arith.addi %add3A_262, %add3A_409 : i32
        %dma_start3A_411 = arith.constant 2 : i32
        %dma_start3A_412 = arith.constant 0 : i32
        %dma_start3A_413 = arith.constant 0 : i32
        %dma_start3A_414 = tpu.memref_slice %arg6[%dma_start3A_411, %dma_start3A_412, %dma_start3A_413] : memref<5x128x64xf32, #tpu.memory_space<vmem>> -> memref<1x128x64xf32, #tpu.memory_space<vmem>>
        %dma_start3A_415 = tpu.memref_squeeze %dma_start3A_414 : memref<1x128x64xf32, #tpu.memory_space<vmem>> -> memref<128x64xf32, #tpu.memory_space<vmem>>
        %dma_start3A_416 = arith.constant 0 : i32
        %dma_start3A_417 = tpu.memref_slice %arg5[%add3A_410, %dma_start3A_416] : memref<50x128xi32, #tpu.memory_space<vmem>> -> memref<1x128xi32, #tpu.memory_space<vmem>>
        %dma_start3A_418 = tpu.memref_squeeze %dma_start3A_417 : memref<1x128xi32, #tpu.memory_space<vmem>> -> memref<128xi32, #tpu.memory_space<vmem>>
        %dma_start3A_419 = arith.constant 0 : i32
        %dma_start3A_420 = arith.constant 0 : i32
        %dma_start3A_421 = tpu.memref_slice %arg3[%dma_start3A_419, %dma_start3A_420] : memref<100000x64xf32, #tpu.memory_space<hbm>> -> memref<100000x64xf32, #tpu.memory_space<hbm>>
        tpu.enqueue_indirect_dma source(%dma_start3A_421 : memref<100000x64xf32, #tpu.memory_space<hbm>>) target(%dma_start3A_415 : memref<128x64xf32, #tpu.memory_space<vmem>>) offsets(%dma_start3A_418 : memref<128xi32, #tpu.memory_space<vmem>>) semaphore(%arg9 : memref<!tpu.dma_semaphore, #tpu.memory_space<semaphore_mem>>)
      } else {
      }
      %mul3A_302 = arith.constant 5 : i32
      %mul3A_303 = arith.muli %mul3A_302, %scan3A_175 : i32
      %add3A_304 = arith.constant 3 : i32
      %add3A_305 = arith.addi %mul3A_303, %add3A_304 : i32
      %dma_wait3A_306 = arith.constant 3 : i32
      %dma_wait3A_307 = arith.constant 0 : i32
      %dma_wait3A_308 = arith.constant 0 : i32
      %dma_wait3A_309 = tpu.memref_slice %arg6[%dma_wait3A_306, %dma_wait3A_307, %dma_wait3A_308] : memref<5x128x64xf32, #tpu.memory_space<vmem>> -> memref<1x128x64xf32, #tpu.memory_space<vmem>>
      %dma_wait3A_310 = tpu.memref_squeeze %dma_wait3A_309 : memref<1x128x64xf32, #tpu.memory_space<vmem>> -> memref<128x64xf32, #tpu.memory_space<vmem>>
      %dma_wait3A_311 = arith.constant 0 : i32
      %dma_wait3A_312 = tpu.memref_slice %arg5[%add3A_305, %dma_wait3A_311] : memref<50x128xi32, #tpu.memory_space<vmem>> -> memref<1x128xi32, #tpu.memory_space<vmem>>
      %dma_wait3A_313 = tpu.memref_squeeze %dma_wait3A_312 : memref<1x128xi32, #tpu.memory_space<vmem>> -> memref<128xi32, #tpu.memory_space<vmem>>
      %dma_wait3A_314 = arith.constant 0 : i32
      %dma_wait3A_315 = arith.constant 0 : i32
      %dma_wait3A_316 = tpu.memref_slice %arg3[%dma_wait3A_314, %dma_wait3A_315] : memref<100000x64xf32, #tpu.memory_space<hbm>> -> memref<100000x64xf32, #tpu.memory_space<hbm>>
      tpu.wait_indirect_dma semaphore(%arg10 : memref<!tpu.dma_semaphore, #tpu.memory_space<semaphore_mem>>) src(%dma_wait3A_316 : memref<100000x64xf32, #tpu.memory_space<hbm>>) dst(%dma_wait3A_310 : memref<128x64xf32, #tpu.memory_space<vmem>>)
      %dma_start3A_317 = arith.constant 3 : i32
      %dma_start3A_318 = arith.constant 0 : i32
      %dma_start3A_319 = arith.constant 0 : i32
      %dma_start3A_320 = tpu.memref_slice %arg6[%dma_start3A_317, %dma_start3A_318, %dma_start3A_319] : memref<5x128x64xf32, #tpu.memory_space<vmem>> -> memref<1x128x64xf32, #tpu.memory_space<vmem>>
      %dma_start3A_321 = tpu.memref_squeeze %dma_start3A_320 : memref<1x128x64xf32, #tpu.memory_space<vmem>> -> memref<128x64xf32, #tpu.memory_space<vmem>>
      %dma_start3A_322 = arith.constant 0 : i32
      %dma_start3A_323 = arith.constant 0 : i32
      %dma_start3A_324 = tpu.memref_slice %arg4[%add3A_305, %dma_start3A_322, %dma_start3A_323] : memref<50x4096x128xf32, #tpu.memory_space<hbm>> -> memref<1x4096x128xf32, #tpu.memory_space<hbm>>
      %dma_start3A_325 = tpu.memref_squeeze %dma_start3A_324 : memref<1x4096x128xf32, #tpu.memory_space<hbm>> -> memref<4096x128xf32, #tpu.memory_space<hbm>>
      %dma_start3A_326 = arith.constant 0 : i32
      %dma_start3A_327 = tpu.memref_slice %dma_start3A_325[%mul3A_2, %dma_start3A_326] : memref<4096x128xf32, #tpu.memory_space<hbm>> -> memref<128x64xf32, #tpu.memory_space<hbm>>
      %dma_start3A_328 = arith.constant 0 : i32
      %dma_start3A_329 = arith.constant 0 : i32
      %dma_start3A_330 = tpu.memref_slice %arg4[%add3A_305, %dma_start3A_328, %dma_start3A_329] : memref<50x4096x128xf32, #tpu.memory_space<hbm>> -> memref<1x4096x128xf32, #tpu.memory_space<hbm>>
      %dma_start3A_331 = tpu.memref_squeeze %dma_start3A_330 : memref<1x4096x128xf32, #tpu.memory_space<hbm>> -> memref<4096x128xf32, #tpu.memory_space<hbm>>
      %dma_start3A_332 = arith.constant 0 : i32
      %dma_start3A_333 = tpu.memref_slice %dma_start3A_331[%mul3A_2, %dma_start3A_332] : memref<4096x128xf32, #tpu.memory_space<hbm>> -> memref<128x64xf32, #tpu.memory_space<hbm>>
      %dma_start3A_334 = arith.constant 0 : i32
      %dma_start3A_335 = arith.constant 0 : i32
      %dma_start3A_336 = tpu.memref_slice %arg6[%dma_start3A_317, %dma_start3A_334, %dma_start3A_335] : memref<5x128x64xf32, #tpu.memory_space<vmem>> -> memref<1x128x64xf32, #tpu.memory_space<vmem>>
      %dma_start3A_337 = tpu.memref_squeeze %dma_start3A_336 : memref<1x128x64xf32, #tpu.memory_space<vmem>> -> memref<128x64xf32, #tpu.memory_space<vmem>>
      tpu.enqueue_dma source(%dma_start3A_337 : memref<128x64xf32, #tpu.memory_space<vmem>>) target(%dma_start3A_333 : memref<128x64xf32, #tpu.memory_space<hbm>>) target_semaphore(%arg15 : memref<!tpu.dma_semaphore, #tpu.memory_space<semaphore_mem>>)
      %add3A_338 = arith.constant 5 : i32
      %add3A_339 = arith.addi %add3A_305, %add3A_338 : i32
      %lt3A_340 = arith.constant 50 : i32
      %lt3A_341 = arith.cmpi slt, %add3A_339, %lt3A_340 : i32
      %convert_element_type3A_342 = arith.extui %lt3A_341 : i1 to i32
      %cond3A_343 = arith.constant 0 : i32
      %cond3A_344 = arith.cmpi ne, %convert_element_type3A_342, %cond3A_343 : i32
      scf.if %cond3A_344 {
        %dma_wait3A_388 = arith.constant 3 : i32
        %dma_wait3A_389 = arith.constant 0 : i32
        %dma_wait3A_390 = arith.constant 0 : i32
        %dma_wait3A_391 = tpu.memref_slice %arg6[%dma_wait3A_388, %dma_wait3A_389, %dma_wait3A_390] : memref<5x128x64xf32, #tpu.memory_space<vmem>> -> memref<1x128x64xf32, #tpu.memory_space<vmem>>
        %dma_wait3A_392 = tpu.memref_squeeze %dma_wait3A_391 : memref<1x128x64xf32, #tpu.memory_space<vmem>> -> memref<128x64xf32, #tpu.memory_space<vmem>>
        %dma_wait3A_393 = arith.constant 0 : i32
        %dma_wait3A_394 = arith.constant 0 : i32
        %dma_wait3A_395 = tpu.memref_slice %arg4[%add3A_305, %dma_wait3A_393, %dma_wait3A_394] : memref<50x4096x128xf32, #tpu.memory_space<hbm>> -> memref<1x4096x128xf32, #tpu.memory_space<hbm>>
        %dma_wait3A_396 = tpu.memref_squeeze %dma_wait3A_395 : memref<1x4096x128xf32, #tpu.memory_space<hbm>> -> memref<4096x128xf32, #tpu.memory_space<hbm>>
        %dma_wait3A_397 = arith.constant 0 : i32
        %dma_wait3A_398 = tpu.memref_slice %dma_wait3A_396[%mul3A_2, %dma_wait3A_397] : memref<4096x128xf32, #tpu.memory_space<hbm>> -> memref<128x64xf32, #tpu.memory_space<hbm>>
        %dma_wait3A_399 = arith.constant 0 : i32
        %dma_wait3A_400 = arith.constant 0 : i32
        %dma_wait3A_401 = tpu.memref_slice %arg4[%add3A_305, %dma_wait3A_399, %dma_wait3A_400] : memref<50x4096x128xf32, #tpu.memory_space<hbm>> -> memref<1x4096x128xf32, #tpu.memory_space<hbm>>
        %dma_wait3A_402 = tpu.memref_squeeze %dma_wait3A_401 : memref<1x4096x128xf32, #tpu.memory_space<hbm>> -> memref<4096x128xf32, #tpu.memory_space<hbm>>
        %dma_wait3A_403 = arith.constant 0 : i32
        %dma_wait3A_404 = tpu.memref_slice %dma_wait3A_402[%mul3A_2, %dma_wait3A_403] : memref<4096x128xf32, #tpu.memory_space<hbm>> -> memref<128x64xf32, #tpu.memory_space<hbm>>
        %dma_wait3A_405 = arith.constant 0 : i32
        %dma_wait3A_406 = arith.constant 0 : i32
        %dma_wait3A_407 = tpu.memref_slice %arg6[%dma_wait3A_388, %dma_wait3A_405, %dma_wait3A_406] : memref<5x128x64xf32, #tpu.memory_space<vmem>> -> memref<1x128x64xf32, #tpu.memory_space<vmem>>
        %dma_wait3A_408 = tpu.memref_squeeze %dma_wait3A_407 : memref<1x128x64xf32, #tpu.memory_space<vmem>> -> memref<128x64xf32, #tpu.memory_space<vmem>>
        tpu.wait_dma2 semaphore(%arg15 : memref<!tpu.dma_semaphore, #tpu.memory_space<semaphore_mem>>) src(%dma_wait3A_408 : memref<128x64xf32, #tpu.memory_space<vmem>>) dst(%dma_wait3A_404 : memref<128x64xf32, #tpu.memory_space<hbm>>)
        %add3A_409 = arith.constant 5 : i32
        %add3A_410 = arith.addi %add3A_305, %add3A_409 : i32
        %dma_start3A_411 = arith.constant 3 : i32
        %dma_start3A_412 = arith.constant 0 : i32
        %dma_start3A_413 = arith.constant 0 : i32
        %dma_start3A_414 = tpu.memref_slice %arg6[%dma_start3A_411, %dma_start3A_412, %dma_start3A_413] : memref<5x128x64xf32, #tpu.memory_space<vmem>> -> memref<1x128x64xf32, #tpu.memory_space<vmem>>
        %dma_start3A_415 = tpu.memref_squeeze %dma_start3A_414 : memref<1x128x64xf32, #tpu.memory_space<vmem>> -> memref<128x64xf32, #tpu.memory_space<vmem>>
        %dma_start3A_416 = arith.constant 0 : i32
        %dma_start3A_417 = tpu.memref_slice %arg5[%add3A_410, %dma_start3A_416] : memref<50x128xi32, #tpu.memory_space<vmem>> -> memref<1x128xi32, #tpu.memory_space<vmem>>
        %dma_start3A_418 = tpu.memref_squeeze %dma_start3A_417 : memref<1x128xi32, #tpu.memory_space<vmem>> -> memref<128xi32, #tpu.memory_space<vmem>>
        %dma_start3A_419 = arith.constant 0 : i32
        %dma_start3A_420 = arith.constant 0 : i32
        %dma_start3A_421 = tpu.memref_slice %arg3[%dma_start3A_419, %dma_start3A_420] : memref<100000x64xf32, #tpu.memory_space<hbm>> -> memref<100000x64xf32, #tpu.memory_space<hbm>>
        tpu.enqueue_indirect_dma source(%dma_start3A_421 : memref<100000x64xf32, #tpu.memory_space<hbm>>) target(%dma_start3A_415 : memref<128x64xf32, #tpu.memory_space<vmem>>) offsets(%dma_start3A_418 : memref<128xi32, #tpu.memory_space<vmem>>) semaphore(%arg10 : memref<!tpu.dma_semaphore, #tpu.memory_space<semaphore_mem>>)
      } else {
      }
      %mul3A_345 = arith.constant 5 : i32
      %mul3A_346 = arith.muli %mul3A_345, %scan3A_175 : i32
      %add3A_347 = arith.constant 4 : i32
      %add3A_348 = arith.addi %mul3A_346, %add3A_347 : i32
      %dma_wait3A_349 = arith.constant 4 : i32
      %dma_wait3A_350 = arith.constant 0 : i32
      %dma_wait3A_351 = arith.constant 0 : i32
      %dma_wait3A_352 = tpu.memref_slice %arg6[%dma_wait3A_349, %dma_wait3A_350, %dma_wait3A_351] : memref<5x128x64xf32, #tpu.memory_space<vmem>> -> memref<1x128x64xf32, #tpu.memory_space<vmem>>
      %dma_wait3A_353 = tpu.memref_squeeze %dma_wait3A_352 : memref<1x128x64xf32, #tpu.memory_space<vmem>> -> memref<128x64xf32, #tpu.memory_space<vmem>>
      %dma_wait3A_354 = arith.constant 0 : i32
      %dma_wait3A_355 = tpu.memref_slice %arg5[%add3A_348, %dma_wait3A_354] : memref<50x128xi32, #tpu.memory_space<vmem>> -> memref<1x128xi32, #tpu.memory_space<vmem>>
      %dma_wait3A_356 = tpu.memref_squeeze %dma_wait3A_355 : memref<1x128xi32, #tpu.memory_space<vmem>> -> memref<128xi32, #tpu.memory_space<vmem>>
      %dma_wait3A_357 = arith.constant 0 : i32
      %dma_wait3A_358 = arith.constant 0 : i32
      %dma_wait3A_359 = tpu.memref_slice %arg3[%dma_wait3A_357, %dma_wait3A_358] : memref<100000x64xf32, #tpu.memory_space<hbm>> -> memref<100000x64xf32, #tpu.memory_space<hbm>>
      tpu.wait_indirect_dma semaphore(%arg11 : memref<!tpu.dma_semaphore, #tpu.memory_space<semaphore_mem>>) src(%dma_wait3A_359 : memref<100000x64xf32, #tpu.memory_space<hbm>>) dst(%dma_wait3A_353 : memref<128x64xf32, #tpu.memory_space<vmem>>)
      %dma_start3A_360 = arith.constant 4 : i32
      %dma_start3A_361 = arith.constant 0 : i32
      %dma_start3A_362 = arith.constant 0 : i32
      %dma_start3A_363 = tpu.memref_slice %arg6[%dma_start3A_360, %dma_start3A_361, %dma_start3A_362] : memref<5x128x64xf32, #tpu.memory_space<vmem>> -> memref<1x128x64xf32, #tpu.memory_space<vmem>>
      %dma_start3A_364 = tpu.memref_squeeze %dma_start3A_363 : memref<1x128x64xf32, #tpu.memory_space<vmem>> -> memref<128x64xf32, #tpu.memory_space<vmem>>
      %dma_start3A_365 = arith.constant 0 : i32
      %dma_start3A_366 = arith.constant 0 : i32
      %dma_start3A_367 = tpu.memref_slice %arg4[%add3A_348, %dma_start3A_365, %dma_start3A_366] : memref<50x4096x128xf32, #tpu.memory_space<hbm>> -> memref<1x4096x128xf32, #tpu.memory_space<hbm>>
      %dma_start3A_368 = tpu.memref_squeeze %dma_start3A_367 : memref<1x4096x128xf32, #tpu.memory_space<hbm>> -> memref<4096x128xf32, #tpu.memory_space<hbm>>
      %dma_start3A_369 = arith.constant 0 : i32
      %dma_start3A_370 = tpu.memref_slice %dma_start3A_368[%mul3A_2, %dma_start3A_369] : memref<4096x128xf32, #tpu.memory_space<hbm>> -> memref<128x64xf32, #tpu.memory_space<hbm>>
      %dma_start3A_371 = arith.constant 0 : i32
      %dma_start3A_372 = arith.constant 0 : i32
      %dma_start3A_373 = tpu.memref_slice %arg4[%add3A_348, %dma_start3A_371, %dma_start3A_372] : memref<50x4096x128xf32, #tpu.memory_space<hbm>> -> memref<1x4096x128xf32, #tpu.memory_space<hbm>>
      %dma_start3A_374 = tpu.memref_squeeze %dma_start3A_373 : memref<1x4096x128xf32, #tpu.memory_space<hbm>> -> memref<4096x128xf32, #tpu.memory_space<hbm>>
      %dma_start3A_375 = arith.constant 0 : i32
      %dma_start3A_376 = tpu.memref_slice %dma_start3A_374[%mul3A_2, %dma_start3A_375] : memref<4096x128xf32, #tpu.memory_space<hbm>> -> memref<128x64xf32, #tpu.memory_space<hbm>>
      %dma_start3A_377 = arith.constant 0 : i32
      %dma_start3A_378 = arith.constant 0 : i32
      %dma_start3A_379 = tpu.memref_slice %arg6[%dma_start3A_360, %dma_start3A_377, %dma_start3A_378] : memref<5x128x64xf32, #tpu.memory_space<vmem>> -> memref<1x128x64xf32, #tpu.memory_space<vmem>>
      %dma_start3A_380 = tpu.memref_squeeze %dma_start3A_379 : memref<1x128x64xf32, #tpu.memory_space<vmem>> -> memref<128x64xf32, #tpu.memory_space<vmem>>
      tpu.enqueue_dma source(%dma_start3A_380 : memref<128x64xf32, #tpu.memory_space<vmem>>) target(%dma_start3A_376 : memref<128x64xf32, #tpu.memory_space<hbm>>) target_semaphore(%arg16 : memref<!tpu.dma_semaphore, #tpu.memory_space<semaphore_mem>>)
      %add3A_381 = arith.constant 5 : i32
      %add3A_382 = arith.addi %add3A_348, %add3A_381 : i32
      %lt3A_383 = arith.constant 50 : i32
      %lt3A_384 = arith.cmpi slt, %add3A_382, %lt3A_383 : i32
      %convert_element_type3A_385 = arith.extui %lt3A_384 : i1 to i32
      %cond3A_386 = arith.constant 0 : i32
      %cond3A_387 = arith.cmpi ne, %convert_element_type3A_385, %cond3A_386 : i32
      scf.if %cond3A_387 {
        %dma_wait3A_388 = arith.constant 4 : i32
        %dma_wait3A_389 = arith.constant 0 : i32
        %dma_wait3A_390 = arith.constant 0 : i32
        %dma_wait3A_391 = tpu.memref_slice %arg6[%dma_wait3A_388, %dma_wait3A_389, %dma_wait3A_390] : memref<5x128x64xf32, #tpu.memory_space<vmem>> -> memref<1x128x64xf32, #tpu.memory_space<vmem>>
        %dma_wait3A_392 = tpu.memref_squeeze %dma_wait3A_391 : memref<1x128x64xf32, #tpu.memory_space<vmem>> -> memref<128x64xf32, #tpu.memory_space<vmem>>
        %dma_wait3A_393 = arith.constant 0 : i32
        %dma_wait3A_394 = arith.constant 0 : i32
        %dma_wait3A_395 = tpu.memref_slice %arg4[%add3A_348, %dma_wait3A_393, %dma_wait3A_394] : memref<50x4096x128xf32, #tpu.memory_space<hbm>> -> memref<1x4096x128xf32, #tpu.memory_space<hbm>>
        %dma_wait3A_396 = tpu.memref_squeeze %dma_wait3A_395 : memref<1x4096x128xf32, #tpu.memory_space<hbm>> -> memref<4096x128xf32, #tpu.memory_space<hbm>>
        %dma_wait3A_397 = arith.constant 0 : i32
        %dma_wait3A_398 = tpu.memref_slice %dma_wait3A_396[%mul3A_2, %dma_wait3A_397] : memref<4096x128xf32, #tpu.memory_space<hbm>> -> memref<128x64xf32, #tpu.memory_space<hbm>>
        %dma_wait3A_399 = arith.constant 0 : i32
        %dma_wait3A_400 = arith.constant 0 : i32
        %dma_wait3A_401 = tpu.memref_slice %arg4[%add3A_348, %dma_wait3A_399, %dma_wait3A_400] : memref<50x4096x128xf32, #tpu.memory_space<hbm>> -> memref<1x4096x128xf32, #tpu.memory_space<hbm>>
        %dma_wait3A_402 = tpu.memref_squeeze %dma_wait3A_401 : memref<1x4096x128xf32, #tpu.memory_space<hbm>> -> memref<4096x128xf32, #tpu.memory_space<hbm>>
        %dma_wait3A_403 = arith.constant 0 : i32
        %dma_wait3A_404 = tpu.memref_slice %dma_wait3A_402[%mul3A_2, %dma_wait3A_403] : memref<4096x128xf32, #tpu.memory_space<hbm>> -> memref<128x64xf32, #tpu.memory_space<hbm>>
        %dma_wait3A_405 = arith.constant 0 : i32
        %dma_wait3A_406 = arith.constant 0 : i32
        %dma_wait3A_407 = tpu.memref_slice %arg6[%dma_wait3A_388, %dma_wait3A_405, %dma_wait3A_406] : memref<5x128x64xf32, #tpu.memory_space<vmem>> -> memref<1x128x64xf32, #tpu.memory_space<vmem>>
        %dma_wait3A_408 = tpu.memref_squeeze %dma_wait3A_407 : memref<1x128x64xf32, #tpu.memory_space<vmem>> -> memref<128x64xf32, #tpu.memory_space<vmem>>
        tpu.wait_dma2 semaphore(%arg16 : memref<!tpu.dma_semaphore, #tpu.memory_space<semaphore_mem>>) src(%dma_wait3A_408 : memref<128x64xf32, #tpu.memory_space<vmem>>) dst(%dma_wait3A_404 : memref<128x64xf32, #tpu.memory_space<hbm>>)
        %add3A_409 = arith.constant 5 : i32
        %add3A_410 = arith.addi %add3A_348, %add3A_409 : i32
        %dma_start3A_411 = arith.constant 4 : i32
        %dma_start3A_412 = arith.constant 0 : i32
        %dma_start3A_413 = arith.constant 0 : i32
        %dma_start3A_414 = tpu.memref_slice %arg6[%dma_start3A_411, %dma_start3A_412, %dma_start3A_413] : memref<5x128x64xf32, #tpu.memory_space<vmem>> -> memref<1x128x64xf32, #tpu.memory_space<vmem>>
        %dma_start3A_415 = tpu.memref_squeeze %dma_start3A_414 : memref<1x128x64xf32, #tpu.memory_space<vmem>> -> memref<128x64xf32, #tpu.memory_space<vmem>>
        %dma_start3A_416 = arith.constant 0 : i32
        %dma_start3A_417 = tpu.memref_slice %arg5[%add3A_410, %dma_start3A_416] : memref<50x128xi32, #tpu.memory_space<vmem>> -> memref<1x128xi32, #tpu.memory_space<vmem>>
        %dma_start3A_418 = tpu.memref_squeeze %dma_start3A_417 : memref<1x128xi32, #tpu.memory_space<vmem>> -> memref<128xi32, #tpu.memory_space<vmem>>
        %dma_start3A_419 = arith.constant 0 : i32
        %dma_start3A_420 = arith.constant 0 : i32
        %dma_start3A_421 = tpu.memref_slice %arg3[%dma_start3A_419, %dma_start3A_420] : memref<100000x64xf32, #tpu.memory_space<hbm>> -> memref<100000x64xf32, #tpu.memory_space<hbm>>
        tpu.enqueue_indirect_dma source(%dma_start3A_421 : memref<100000x64xf32, #tpu.memory_space<hbm>>) target(%dma_start3A_415 : memref<128x64xf32, #tpu.memory_space<vmem>>) offsets(%dma_start3A_418 : memref<128xi32, #tpu.memory_space<vmem>>) semaphore(%arg11 : memref<!tpu.dma_semaphore, #tpu.memory_space<semaphore_mem>>)
      } else {
      }
    }
    %scan3A_65 = arith.constant 10 : i32
    %dma_wait3A = arith.constant 0 : i32
    %dma_wait3A_66 = arith.constant 45 : i32
    %dma_wait3A_67 = arith.constant 0 : i32
    %dma_wait3A_68 = arith.constant 0 : i32
    %dma_wait3A_69 = tpu.memref_slice %arg6[%dma_wait3A, %dma_wait3A_67, %dma_wait3A_68] : memref<5x128x64xf32, #tpu.memory_space<vmem>> -> memref<1x128x64xf32, #tpu.memory_space<vmem>>
    %dma_wait3A_70 = tpu.memref_squeeze %dma_wait3A_69 : memref<1x128x64xf32, #tpu.memory_space<vmem>> -> memref<128x64xf32, #tpu.memory_space<vmem>>
    %dma_wait3A_71 = arith.constant 0 : i32
    %dma_wait3A_72 = arith.constant 0 : i32
    %dma_wait3A_73 = tpu.memref_slice %arg4[%dma_wait3A_66, %dma_wait3A_71, %dma_wait3A_72] : memref<50x4096x128xf32, #tpu.memory_space<hbm>> -> memref<1x4096x128xf32, #tpu.memory_space<hbm>>
    %dma_wait3A_74 = tpu.memref_squeeze %dma_wait3A_73 : memref<1x4096x128xf32, #tpu.memory_space<hbm>> -> memref<4096x128xf32, #tpu.memory_space<hbm>>
    %dma_wait3A_75 = arith.constant 0 : i32
    %dma_wait3A_76 = tpu.memref_slice %dma_wait3A_74[%mul3A_2, %dma_wait3A_75] : memref<4096x128xf32, #tpu.memory_space<hbm>> -> memref<128x64xf32, #tpu.memory_space<hbm>>
    %dma_wait3A_77 = arith.constant 0 : i32
    %dma_wait3A_78 = arith.constant 0 : i32
    %dma_wait3A_79 = tpu.memref_slice %arg4[%dma_wait3A_66, %dma_wait3A_77, %dma_wait3A_78] : memref<50x4096x128xf32, #tpu.memory_space<hbm>> -> memref<1x4096x128xf32, #tpu.memory_space<hbm>>
    %dma_wait3A_80 = tpu.memref_squeeze %dma_wait3A_79 : memref<1x4096x128xf32, #tpu.memory_space<hbm>> -> memref<4096x128xf32, #tpu.memory_space<hbm>>
    %dma_wait3A_81 = arith.constant 0 : i32
    %dma_wait3A_82 = tpu.memref_slice %dma_wait3A_80[%mul3A_2, %dma_wait3A_81] : memref<4096x128xf32, #tpu.memory_space<hbm>> -> memref<128x64xf32, #tpu.memory_space<hbm>>
    %dma_wait3A_83 = arith.constant 0 : i32
    %dma_wait3A_84 = arith.constant 0 : i32
    %dma_wait3A_85 = tpu.memref_slice %arg6[%dma_wait3A, %dma_wait3A_83, %dma_wait3A_84] : memref<5x128x64xf32, #tpu.memory_space<vmem>> -> memref<1x128x64xf32, #tpu.memory_space<vmem>>
    %dma_wait3A_86 = tpu.memref_squeeze %dma_wait3A_85 : memref<1x128x64xf32, #tpu.memory_space<vmem>> -> memref<128x64xf32, #tpu.memory_space<vmem>>
    tpu.wait_dma2 semaphore(%arg12 : memref<!tpu.dma_semaphore, #tpu.memory_space<semaphore_mem>>) src(%dma_wait3A_86 : memref<128x64xf32, #tpu.memory_space<vmem>>) dst(%dma_wait3A_82 : memref<128x64xf32, #tpu.memory_space<hbm>>)
    %dma_wait3A_87 = arith.constant 1 : i32
    %dma_wait3A_88 = arith.constant 46 : i32
    %dma_wait3A_89 = arith.constant 0 : i32
    %dma_wait3A_90 = arith.constant 0 : i32
    %dma_wait3A_91 = tpu.memref_slice %arg6[%dma_wait3A_87, %dma_wait3A_89, %dma_wait3A_90] : memref<5x128x64xf32, #tpu.memory_space<vmem>> -> memref<1x128x64xf32, #tpu.memory_space<vmem>>
    %dma_wait3A_92 = tpu.memref_squeeze %dma_wait3A_91 : memref<1x128x64xf32, #tpu.memory_space<vmem>> -> memref<128x64xf32, #tpu.memory_space<vmem>>
    %dma_wait3A_93 = arith.constant 0 : i32
    %dma_wait3A_94 = arith.constant 0 : i32
    %dma_wait3A_95 = tpu.memref_slice %arg4[%dma_wait3A_88, %dma_wait3A_93, %dma_wait3A_94] : memref<50x4096x128xf32, #tpu.memory_space<hbm>> -> memref<1x4096x128xf32, #tpu.memory_space<hbm>>
    %dma_wait3A_96 = tpu.memref_squeeze %dma_wait3A_95 : memref<1x4096x128xf32, #tpu.memory_space<hbm>> -> memref<4096x128xf32, #tpu.memory_space<hbm>>
    %dma_wait3A_97 = arith.constant 0 : i32
    %dma_wait3A_98 = tpu.memref_slice %dma_wait3A_96[%mul3A_2, %dma_wait3A_97] : memref<4096x128xf32, #tpu.memory_space<hbm>> -> memref<128x64xf32, #tpu.memory_space<hbm>>
    %dma_wait3A_99 = arith.constant 0 : i32
    %dma_wait3A_100 = arith.constant 0 : i32
    %dma_wait3A_101 = tpu.memref_slice %arg4[%dma_wait3A_88, %dma_wait3A_99, %dma_wait3A_100] : memref<50x4096x128xf32, #tpu.memory_space<hbm>> -> memref<1x4096x128xf32, #tpu.memory_space<hbm>>
    %dma_wait3A_102 = tpu.memref_squeeze %dma_wait3A_101 : memref<1x4096x128xf32, #tpu.memory_space<hbm>> -> memref<4096x128xf32, #tpu.memory_space<hbm>>
    %dma_wait3A_103 = arith.constant 0 : i32
    %dma_wait3A_104 = tpu.memref_slice %dma_wait3A_102[%mul3A_2, %dma_wait3A_103] : memref<4096x128xf32, #tpu.memory_space<hbm>> -> memref<128x64xf32, #tpu.memory_space<hbm>>
    %dma_wait3A_105 = arith.constant 0 : i32
    %dma_wait3A_106 = arith.constant 0 : i32
    %dma_wait3A_107 = tpu.memref_slice %arg6[%dma_wait3A_87, %dma_wait3A_105, %dma_wait3A_106] : memref<5x128x64xf32, #tpu.memory_space<vmem>> -> memref<1x128x64xf32, #tpu.memory_space<vmem>>
    %dma_wait3A_108 = tpu.memref_squeeze %dma_wait3A_107 : memref<1x128x64xf32, #tpu.memory_space<vmem>> -> memref<128x64xf32, #tpu.memory_space<vmem>>
    tpu.wait_dma2 semaphore(%arg13 : memref<!tpu.dma_semaphore, #tpu.memory_space<semaphore_mem>>) src(%dma_wait3A_108 : memref<128x64xf32, #tpu.memory_space<vmem>>) dst(%dma_wait3A_104 : memref<128x64xf32, #tpu.memory_space<hbm>>)
    %dma_wait3A_109 = arith.constant 2 : i32
    %dma_wait3A_110 = arith.constant 47 : i32
    %dma_wait3A_111 = arith.constant 0 : i32
    %dma_wait3A_112 = arith.constant 0 : i32
    %dma_wait3A_113 = tpu.memref_slice %arg6[%dma_wait3A_109, %dma_wait3A_111, %dma_wait3A_112] : memref<5x128x64xf32, #tpu.memory_space<vmem>> -> memref<1x128x64xf32, #tpu.memory_space<vmem>>
    %dma_wait3A_114 = tpu.memref_squeeze %dma_wait3A_113 : memref<1x128x64xf32, #tpu.memory_space<vmem>> -> memref<128x64xf32, #tpu.memory_space<vmem>>
    %dma_wait3A_115 = arith.constant 0 : i32
    %dma_wait3A_116 = arith.constant 0 : i32
    %dma_wait3A_117 = tpu.memref_slice %arg4[%dma_wait3A_110, %dma_wait3A_115, %dma_wait3A_116] : memref<50x4096x128xf32, #tpu.memory_space<hbm>> -> memref<1x4096x128xf32, #tpu.memory_space<hbm>>
    %dma_wait3A_118 = tpu.memref_squeeze %dma_wait3A_117 : memref<1x4096x128xf32, #tpu.memory_space<hbm>> -> memref<4096x128xf32, #tpu.memory_space<hbm>>
    %dma_wait3A_119 = arith.constant 0 : i32
    %dma_wait3A_120 = tpu.memref_slice %dma_wait3A_118[%mul3A_2, %dma_wait3A_119] : memref<4096x128xf32, #tpu.memory_space<hbm>> -> memref<128x64xf32, #tpu.memory_space<hbm>>
    %dma_wait3A_121 = arith.constant 0 : i32
    %dma_wait3A_122 = arith.constant 0 : i32
    %dma_wait3A_123 = tpu.memref_slice %arg4[%dma_wait3A_110, %dma_wait3A_121, %dma_wait3A_122] : memref<50x4096x128xf32, #tpu.memory_space<hbm>> -> memref<1x4096x128xf32, #tpu.memory_space<hbm>>
    %dma_wait3A_124 = tpu.memref_squeeze %dma_wait3A_123 : memref<1x4096x128xf32, #tpu.memory_space<hbm>> -> memref<4096x128xf32, #tpu.memory_space<hbm>>
    %dma_wait3A_125 = arith.constant 0 : i32
    %dma_wait3A_126 = tpu.memref_slice %dma_wait3A_124[%mul3A_2, %dma_wait3A_125] : memref<4096x128xf32, #tpu.memory_space<hbm>> -> memref<128x64xf32, #tpu.memory_space<hbm>>
    %dma_wait3A_127 = arith.constant 0 : i32
    %dma_wait3A_128 = arith.constant 0 : i32
    %dma_wait3A_129 = tpu.memref_slice %arg6[%dma_wait3A_109, %dma_wait3A_127, %dma_wait3A_128] : memref<5x128x64xf32, #tpu.memory_space<vmem>> -> memref<1x128x64xf32, #tpu.memory_space<vmem>>
    %dma_wait3A_130 = tpu.memref_squeeze %dma_wait3A_129 : memref<1x128x64xf32, #tpu.memory_space<vmem>> -> memref<128x64xf32, #tpu.memory_space<vmem>>
    tpu.wait_dma2 semaphore(%arg14 : memref<!tpu.dma_semaphore, #tpu.memory_space<semaphore_mem>>) src(%dma_wait3A_130 : memref<128x64xf32, #tpu.memory_space<vmem>>) dst(%dma_wait3A_126 : memref<128x64xf32, #tpu.memory_space<hbm>>)
    %dma_wait3A_131 = arith.constant 3 : i32
    %dma_wait3A_132 = arith.constant 48 : i32
    %dma_wait3A_133 = arith.constant 0 : i32
    %dma_wait3A_134 = arith.constant 0 : i32
    %dma_wait3A_135 = tpu.memref_slice %arg6[%dma_wait3A_131, %dma_wait3A_133, %dma_wait3A_134] : memref<5x128x64xf32, #tpu.memory_space<vmem>> -> memref<1x128x64xf32, #tpu.memory_space<vmem>>
    %dma_wait3A_136 = tpu.memref_squeeze %dma_wait3A_135 : memref<1x128x64xf32, #tpu.memory_space<vmem>> -> memref<128x64xf32, #tpu.memory_space<vmem>>
    %dma_wait3A_137 = arith.constant 0 : i32
    %dma_wait3A_138 = arith.constant 0 : i32
    %dma_wait3A_139 = tpu.memref_slice %arg4[%dma_wait3A_132, %dma_wait3A_137, %dma_wait3A_138] : memref<50x4096x128xf32, #tpu.memory_space<hbm>> -> memref<1x4096x128xf32, #tpu.memory_space<hbm>>
    %dma_wait3A_140 = tpu.memref_squeeze %dma_wait3A_139 : memref<1x4096x128xf32, #tpu.memory_space<hbm>> -> memref<4096x128xf32, #tpu.memory_space<hbm>>
    %dma_wait3A_141 = arith.constant 0 : i32
    %dma_wait3A_142 = tpu.memref_slice %dma_wait3A_140[%mul3A_2, %dma_wait3A_141] : memref<4096x128xf32, #tpu.memory_space<hbm>> -> memref<128x64xf32, #tpu.memory_space<hbm>>
    %dma_wait3A_143 = arith.constant 0 : i32
    %dma_wait3A_144 = arith.constant 0 : i32
    %dma_wait3A_145 = tpu.memref_slice %arg4[%dma_wait3A_132, %dma_wait3A_143, %dma_wait3A_144] : memref<50x4096x128xf32, #tpu.memory_space<hbm>> -> memref<1x4096x128xf32, #tpu.memory_space<hbm>>
    %dma_wait3A_146 = tpu.memref_squeeze %dma_wait3A_145 : memref<1x4096x128xf32, #tpu.memory_space<hbm>> -> memref<4096x128xf32, #tpu.memory_space<hbm>>
    %dma_wait3A_147 = arith.constant 0 : i32
    %dma_wait3A_148 = tpu.memref_slice %dma_wait3A_146[%mul3A_2, %dma_wait3A_147] : memref<4096x128xf32, #tpu.memory_space<hbm>> -> memref<128x64xf32, #tpu.memory_space<hbm>>
    %dma_wait3A_149 = arith.constant 0 : i32
    %dma_wait3A_150 = arith.constant 0 : i32
    %dma_wait3A_151 = tpu.memref_slice %arg6[%dma_wait3A_131, %dma_wait3A_149, %dma_wait3A_150] : memref<5x128x64xf32, #tpu.memory_space<vmem>> -> memref<1x128x64xf32, #tpu.memory_space<vmem>>
    %dma_wait3A_152 = tpu.memref_squeeze %dma_wait3A_151 : memref<1x128x64xf32, #tpu.memory_space<vmem>> -> memref<128x64xf32, #tpu.memory_space<vmem>>
    tpu.wait_dma2 semaphore(%arg15 : memref<!tpu.dma_semaphore, #tpu.memory_space<semaphore_mem>>) src(%dma_wait3A_152 : memref<128x64xf32, #tpu.memory_space<vmem>>) dst(%dma_wait3A_148 : memref<128x64xf32, #tpu.memory_space<hbm>>)
    %dma_wait3A_153 = arith.constant 4 : i32
    %dma_wait3A_154 = arith.constant 49 : i32
    %dma_wait3A_155 = arith.constant 0 : i32
    %dma_wait3A_156 = arith.constant 0 : i32
    %dma_wait3A_157 = tpu.memref_slice %arg6[%dma_wait3A_153, %dma_wait3A_155, %dma_wait3A_156] : memref<5x128x64xf32, #tpu.memory_space<vmem>> -> memref<1x128x64xf32, #tpu.memory_space<vmem>>
    %dma_wait3A_158 = tpu.memref_squeeze %dma_wait3A_157 : memref<1x128x64xf32, #tpu.memory_space<vmem>> -> memref<128x64xf32, #tpu.memory_space<vmem>>
    %dma_wait3A_159 = arith.constant 0 : i32
    %dma_wait3A_160 = arith.constant 0 : i32
    %dma_wait3A_161 = tpu.memref_slice %arg4[%dma_wait3A_154, %dma_wait3A_159, %dma_wait3A_160] : memref<50x4096x128xf32, #tpu.memory_space<hbm>> -> memref<1x4096x128xf32, #tpu.memory_space<hbm>>
    %dma_wait3A_162 = tpu.memref_squeeze %dma_wait3A_161 : memref<1x4096x128xf32, #tpu.memory_space<hbm>> -> memref<4096x128xf32, #tpu.memory_space<hbm>>
    %dma_wait3A_163 = arith.constant 0 : i32
    %dma_wait3A_164 = tpu.memref_slice %dma_wait3A_162[%mul3A_2, %dma_wait3A_163] : memref<4096x128xf32, #tpu.memory_space<hbm>> -> memref<128x64xf32, #tpu.memory_space<hbm>>
    %dma_wait3A_165 = arith.constant 0 : i32
    %dma_wait3A_166 = arith.constant 0 : i32
    %dma_wait3A_167 = tpu.memref_slice %arg4[%dma_wait3A_154, %dma_wait3A_165, %dma_wait3A_166] : memref<50x4096x128xf32, #tpu.memory_space<hbm>> -> memref<1x4096x128xf32, #tpu.memory_space<hbm>>
    %dma_wait3A_168 = tpu.memref_squeeze %dma_wait3A_167 : memref<1x4096x128xf32, #tpu.memory_space<hbm>> -> memref<4096x128xf32, #tpu.memory_space<hbm>>
    %dma_wait3A_169 = arith.constant 0 : i32
    %dma_wait3A_170 = tpu.memref_slice %dma_wait3A_168[%mul3A_2, %dma_wait3A_169] : memref<4096x128xf32, #tpu.memory_space<hbm>> -> memref<128x64xf32, #tpu.memory_space<hbm>>
    %dma_wait3A_171 = arith.constant 0 : i32
    %dma_wait3A_172 = arith.constant 0 : i32
    %dma_wait3A_173 = tpu.memref_slice %arg6[%dma_wait3A_153, %dma_wait3A_171, %dma_wait3A_172] : memref<5x128x64xf32, #tpu.memory_space<vmem>> -> memref<1x128x64xf32, #tpu.memory_space<vmem>>
    %dma_wait3A_174 = tpu.memref_squeeze %dma_wait3A_173 : memref<1x128x64xf32, #tpu.memory_space<vmem>> -> memref<128x64xf32, #tpu.memory_space<vmem>>
    tpu.wait_dma2 semaphore(%arg16 : memref<!tpu.dma_semaphore, #tpu.memory_space<semaphore_mem>>) src(%dma_wait3A_174 : memref<128x64xf32, #tpu.memory_space<vmem>>) dst(%dma_wait3A_170 : memref<128x64xf32, #tpu.memory_space<hbm>>)
    return
  }
}

</mosaic_0001>

<sc_bundles>
// kernel: kernel.3.cloned.1.call-start
scs
__scs_entry_jumppad:
0x0: {  	(pc) =	sbr.rel $0x88, $3  }
0x1: {  	(tag) =	ssettag $0x0;
	lr =	simm.s32 $0x1  }
0x2: {  	[smem:$0x3F9F] =	sst lr;
	_ =	strace $0xD0000000  }
0x3: {  	_ = 	snop  }
0x4: {  	_ = 	snop  }
0x5: {  	_ = 	snop  }
0x6: {  	_ = 	snop  }
0x7: {  	_ = 	snop  }
__scs_overlays_trampoline_lowered:
0x8: {  	[smem:$0x3FAE] =	sst s0  }
0x9: {  	[smem:$0x3FAF] =	sst s1  }
0xa: {  	[smem:$0x3FB0] =	sst s2  }
0xb: {  	[smem:$0x3FB1] =	sst s3  }
0xc: {  	[smem:$0x3FB2] =	sst s4  }
0xd: {  	[smem:$0x3FB3] =	sst s5  }
0xe: {  	[smem:$0x3FB4] =	sst s6  }
0xf: {  	[smem:$0x3FB5] =	sst s7  }
0x10: {  	[smem:$0x3FB6] =	sst s8  }
0x11: {  	[smem:$0x3FB7] =	sst s9;
	s0 =	simm.s32 @!p0 $0x0  }
0x12: {  	s1 =	sld [smem:$0x3F9D];
	s0 =	simm.s32 @p0 $0x1  }
0x13: {  	[smem:$0x3FB8] =	sst s0;
	s0 =	simm.s32 @!p1 $0x0  }
0x14: {  	s2 =	sld [smem:$0x3F9C];
	s0 =	simm.s32 @p1 $0x1  }
0x15: {  	[smem:$0x3FB9] =	sst s0;
	s0 =	simm.s32 @!p2 $0x0  }
0x16: {  	s3 =	sld [smem:$0x3FDB];
	s0 =	simm.s32 @p2 $0x1  }
0x17: {  	s4 =	simm.s32 $0x1BF5;
	[smem:$0x3FBB] =	sst s0  }
0x18: {  	s0 =	sld [smem:$0x3F9E];
	_ =	swait.ge [sflag:s4], $0x0  }
0x19: {  	s7 =	sld [smem:$0x3F9F]  }
0x1a: {  	s8 =	sadd.s32 $0xFFFFE003, lr  }
0x1b: {  	s9 =	sadd.s32 $0xFFFFFEF7, lr;
	s5 =	simm.s32 $0xFFFFFFFF;
	p2 =	slt.u32 s8, $0xFFFFF086  }
0x1c: {  	p1 =	slt.u32 s9, $0xF7A;
	s5 =	simm.s32 @!p2 $0x0  }
0x1d: {  	s5 =	simm.s32 @p1 $0x1;
	p0 =	seq.s32 s7, s2  }
0x1e: {  	s7 =	smul.u32 @!p0 $0xF7A, s2;
	p2 =	seq.s32 @!p0 s5, $0x0  }
0x1f: {  	s9 =	smul.u32 $0xF7A, s1;
	s8 =	simm.s32 @!p0 $0x1BF5;
	p2 =	por !p2, p0  }
0x20: {  	[sflag:s8] =	ssyncset.s32 @!p0 $0xFFFFF086;
	s6 =	sadd.s32 @!p0 s3, s7;
	s7 =	simm.s32 @!p0 $0x108  }
0x21: {  	s3 =	sadd.s32 s3, s9;
	s6 =	sadd.s32 @!p0 $0x88, s6;
	s7 =	simm.s32 @p2 $0x1082  }
0x22: {  	[simem:s7], [sflag:s8] =	dma.local @!p0 [hbm:s6], $0xF7A  }
0x23: {  	s9 =	sor.u32 $0xD0000000, s2;
	s6 =	simm.s32 $0x108;
	_ =	swait.ge @!p0 [sflag:s8], $0x0  }
0x24: {  	s3 =	sadd.s32 $0x88, s3;
	s6 =	simm.s32 @!p1 $0x1082;
	[sflag:s4] =	ssyncset.s32 $0xFFFFF086  }
0x25: {  	[simem:s6], [sflag:s4] =	dma.local [hbm:s3], $0xF7A  }
0x26: {  	[smem:$0x3F9F] =	sst s1;
	(tag) =	ssettag s2;
	_ =	strace s9  }
0x27: {  	s1 =	sld [smem:$0x3FAF]  }
0x28: {  	s2 =	sld [smem:$0x3FB0]  }
0x29: {  	s4 =	sld [smem:$0x3FB2]  }
0x2a: {  	p0 =	seq.s32 s5, $0x0;
	s5 =	sld [smem:$0x3FB3]  }
0x2b: {  	s6 =	sld [smem:$0x3FB4]  }
0x2c: {  	s7 =	sld [smem:$0x3FB5]  }
0x2d: {  	s3 =	simm.s32 $0x108;
	s8 =	sld [smem:$0x3FB6]  }
0x2e: {  	s3 =	simm.s32 @!p0 $0x1082;
	s9 =	sld [smem:$0x3FB7]  }
0x2f: {  	lr =	sadd.s32 s0, s3;
	s0 =	sld [smem:$0x3FAE]  }
0x30: {  	s3 =	sld [smem:$0x3FB1]  }
0x31: {  	[smem:$0x3FBA] =	sst s10  }
0x32: {  	s10 =	sld [smem:$0x3FB8];
	_ =	sdelay $0x3  }
0x33: {  	p0 =	seq.s32 s10, $0x1;
	s10 =	sld [smem:$0x3FBA];
	_ =	sdelay $0x3  }
0x34: {  	[smem:$0x3FBA] =	sst s10  }
0x35: {  	s10 =	sld [smem:$0x3FB9];
	_ =	sdelay $0x3  }
0x36: {  	p1 =	seq.s32 s10, $0x1;
	s10 =	sld [smem:$0x3FBA];
	_ =	sdelay $0x3  }
0x37: {  	[smem:$0x3FBA] =	sst s10  }
0x38: {  	s10 =	sld [smem:$0x3FBB]  }
0x39: {  	_ = 	snop;
	(pc) =	sbr.ind lr, $3  }
0x3a: {  	_ = 	snop  }
0x3b: {  	_ = 	snop  }
0x3c: {  	p2 =	seq.s32 s10, $0x1;
	s10 =	sld [smem:$0x3FBA]  }
0x3d: {  	_ =	shalt  }
0x3e: {  	_ =	shalt  }
0x3f: {  	_ =	shalt  }
0x40: {  	_ =	shalt  }
0x41: {  	_ =	shalt  }
0x42: {  	_ =	shalt  }
0x43: {  	_ =	shalt  }
0x44: {  	_ =	shalt  }
0x45: {  	_ =	shalt  }
0x46: {  	_ =	shalt  }
0x47: {  	_ =	shalt  }
0x48: {  	_ =	shalt  }
0x49: {  	_ =	shalt  }
0x4a: {  	_ =	shalt  }
0x4b: {  	_ =	shalt  }
0x4c: {  	_ =	shalt  }
0x4d: {  	_ =	shalt  }
0x4e: {  	_ =	shalt  }
0x4f: {  	_ =	shalt  }
0x50: {  	_ =	shalt  }
0x51: {  	_ =	shalt  }
0x52: {  	_ =	shalt  }
0x53: {  	_ =	shalt  }
0x54: {  	_ =	shalt  }
0x55: {  	_ =	shalt  }
0x56: {  	_ =	shalt  }
0x57: {  	_ =	shalt  }
0x58: {  	_ =	shalt  }
0x59: {  	_ =	shalt  }
0x5a: {  	_ =	shalt  }
0x5b: {  	_ =	shalt  }
0x5c: {  	_ =	shalt  }
0x5d: {  	_ =	shalt  }
0x5e: {  	_ =	shalt  }
0x5f: {  	_ =	shalt  }
0x60: {  	_ =	shalt  }
0x61: {  	_ =	shalt  }
0x62: {  	_ =	shalt  }
0x63: {  	_ =	shalt  }
0x64: {  	_ =	shalt  }
0x65: {  	_ =	shalt  }
0x66: {  	_ =	shalt  }
0x67: {  	_ =	shalt  }
0x68: {  	_ =	shalt  }
0x69: {  	_ =	shalt  }
0x6a: {  	_ =	shalt  }
0x6b: {  	_ =	shalt  }
0x6c: {  	_ =	shalt  }
0x6d: {  	_ =	shalt  }
0x6e: {  	_ =	shalt  }
0x6f: {  	_ =	shalt  }
0x70: {  	_ =	shalt  }
0x71: {  	_ =	shalt  }
0x72: {  	_ =	shalt  }
0x73: {  	_ =	shalt  }
0x74: {  	_ =	shalt  }
0x75: {  	_ =	shalt  }
0x76: {  	_ =	shalt  }
0x77: {  	_ =	shalt  }
0x78: {  	_ =	shalt  }
0x79: {  	_ =	shalt  }
0x7a: {  	_ =	shalt  }
0x7b: {  	_ =	shalt  }
0x7c: {  	_ =	shalt  }
0x7d: {  	_ =	shalt  }
0x7e: {  	_ =	shalt  }
0x7f: {  	_ =	shalt  }
0x80: {  	_ =	shalt  }
0x81: {  	_ =	shalt  }
0x82: {  	_ =	shalt  }
0x83: {  	_ =	shalt  }
0x84: {  	_ =	shalt  }
0x85: {  	_ =	shalt  }
0x86: {  	_ =	shalt  }
0x87: {  	_ =	shalt  }
.Lfunc_end0:
.L_simem_size_0:
called_computation.1_lowered:
.L_overlay_start_0:
0x88: {  	s2 =	sld [smem:$0x3FD9]  }
0x89: {  	s3 =	sld [smem:$0x3FFE];
	_ =	sdelay $0x1  }
0x8a: {  	s1 =	srdreg.scid  }
0x8b: {  	s0 =	sand.u32 $0x1, s1  }
0x8c: {  	s16 =	sshll.u32 s0, $0xA;
	s2 =	sadd.s32 s3, s2  }
0x8d: {  	s2 =	sadd.s32 s2, s16  }
0x8e: {  	[smem:$0x3FC6] =	sst s2  }
0x8f: {  	_ = 	snop  }
0x90: {  	(tm) =	ssettm $0x1  }
0x91: {  	s17 =	sld [smem:$0x3FFB];
	_ =	sdelay $0x3  }
0x92: {  	_ =	strace s17  }
0x93: {  	s2 =	sld [smem:$0x3FFC];
	_ =	sdelay $0x3  }
0x94: {  	_ =	strace s2  }
0x95: {  	s2 =	sld [smem:$0x3FFD];
	_ =	sdelay $0x3  }
0x96: {  	_ =	strace s2  }
0x97: {  	_ =	strace $0x8FFFFFFF  }
0x98: {  	s18 =	sld [smem:$0x3FDB];
	_ =	sdelay $0x1  }
0x99: {  	s19 =	simm.s32 $_scs_section_size  }
0x9a: {  	s4 =	simm.s32 $_size__tile_overlayer_lowered;
	s5 =	simm.s32 $_tile_overlayer_lowered  }
0x9b: {  	s22 =	simm.s32 $0x1BFF;
	s21 =	sshll.u32 s5, $0x1;
	s2 =	sadd.s32 s19, s18  }
0x9c: {  	s6 =	simm.s32 $0x0;
	s20 =	sshll.u32 s4, $0x1;
	s4 =	sadd.s32 s21, s2  }
0x9d: {  	[timem:s6], [sflag:s22] =	dma.local [hbm:s4], s20  }
0x9e: {  	_ =	swait.ge [sflag:s22], s20  }
0x9f: {  	s3 =	ssub.s32 $0x0, s20;
	[sflag:s22] =	ssyncset.done $0x0  }
0xa0: {  	[sflag:s22] =	ssyncadd.s32 s3;
	_ =	sdelay $0x1  }
0xa1: {  	s23 =	simm.s32 $0x1B8B  }
0xa2: {  	_ =	swait.ge [sflag:s23], $0x1  }
0xa3: {  	[sflag:s23] =	ssyncset.done $0x0  }
0xa4: {  	s25 =	simm.s32 $0x1B8E;
	s24 =	sld [smem:$0x3FFE];
	[sflag:s23] =	ssyncadd.s32 $0xFFFFFFFF  }
0xa5: {  	s26 =	simm.s32 $execute0_lowered;
	[smem:$0x3FD2] =	sst s25  }
0xa6: {  	s4 =	sshll.u32 s26, $0x1;
	_ =	strace $0x80000046;
	[dreg:$0x1] =	wrdreg $0xFFFFFFFF  }
0xa7: {  	s28 =	simm.s32 $_size_execute0_lowered;
	s2 =	sadd.s32 s2, s4;
	[dreg:$0x0] =	wrdreg $0x0  }
0xa8: {  	s4 =	sshll.u32 s28, $0x1;
	[dreg:$0x2] =	wrdreg s2  }
0xa9: {  	[dreg:$0x3] =	wrdreg s4  }
0xaa: {  	[dreg:$0x4] =	wrdreg $0xC0  }
0xab: {  	_ =	task [dreg:s6], $0x5FFFF  }
0xac: {  	[dreg:$0x1] =	wrdreg $0xFFFFFFFF  }
0xad: {  	[dreg:$0x0] =	wrdreg $0x60  }
0xae: {  	[dreg:$0x2] =	wrdreg s24  }
0xaf: {  	[dreg:$0x3] =	wrdreg $0x9  }
0xb0: {  	_ =	task.clear_ibuf [dreg:s6], $0x4FFFF;
	_ =	strace $0x90000046  }
0xb1: {  	s29 =	simm.s32 $0x9;
	_ =	strace $0x80000048  }
0xb2: {  	_ =	swait.ge [sflag:s29], $0x1  }
0xb3: {  	[sflag:s29] =	ssyncadd.s32 $0xFFFFFFFF  }
0xb4: {  	_ =	strace $0x90000048  }
0xb5: {  	_ =	sfence  }
0xb6: {  	s30 =	sld [smem:$0x0];
	_ =	sdelay $0x2  }
0xb7: {  	s31 =	sshll.u32 s1, $0xD;
	s1 =	sshrl.u32 s1, $0x2  }
0xb8: {  	s3 =	sand.u32 $0x4000, s31;
	s1 =	sadd.s32 s1, s30  }
0xb9: {  	s0 =	sor.u32 s3, s0;
	s1 =	sshll.u32 s1, $0x11  }
0xba: {  	s0 =	sor.u32 s1, s0  }
0xbb: {  	s0 =	sadd.s32 $0x8F2B, s0  }
0xbc: {  	[sflag:s0] =	ssyncadd.remote.s32 $0x1  }
0xbd: {  	_ =	sfence.sel $0xFFFF  }
0xbe: {  	[dreg:$0x0] =	wrdreg $0xFFFFFFFF;
	(pc) =	sbr.abs _section_cstart, $3  }
0xbf: {  	[dreg:$0x1] =	wrdreg $0xFFFFFFFF  }
0xc0: {  	_ =	task.clear_ibuf [dreg:s6], $0x2FFFF;
	_ =	strace $0x9FFFFFFF  }
0xc1: {  	(tm) =	ssettm $0x7FFFFFFF  }
tec
execute0_lowered:
.L_overlay_start_1:
0x0: {  	(tag) =	ssettag $0x1  }
0x1: {  	s0 =	rddreg [dreg:$0x0]  }
0x2: {  	s1 =	srdreg.scid;
	s2 =	stileid.u32;
	s5 =	simm.s32 $0x0  }
0x3: {  	s8 =	simm.s32 $0x80;
	s10 =	simm.s32 $0xB;
	s11 =	simm.s32 $0x1900  }
0x4: {  	s12 =	simm.s32 $0x3900;
	s14 =	simm.s32 $0x5900;
	s16 =	simm.s32 $0x7900  }
0x5: {  	s18 =	simm.s32 $0x9900;
	s19 =	simm.s32 $0x1;
	s20 =	simm.s32 $0x40  }
0x6: {  	s21 =	simm.s32 $0x2;
	s22 =	simm.s32 $0x3;
	s23 =	simm.s32 $0x4  }
0x7: {  	s24 =	simm.s32 $0x5;
	s28 =	simm.s32 $0x8;
	s29 =	simm.s32 $0x9  }
0x8: {  	s30 =	simm.s32 $0xA;
	s31 =	simm.s32 $0x0;
	s1 =	sand.u32 $0x1, s1  }
0x9: {  	s3 =	sshll.u32 s2, $0x8;
	[smem:$0x7FF] =	sst s5;
	s4 =	sshll.u32 s1, $0x7  }
.Ltmp0:
0xa: {  	s1 =	ssub.s32 $0x2, s1;
	s25 =	sor.u32 s4, s3;
	(pc) =	sbr.rel .LBB2_1-.Ltmp0, $4  }
0xb: {  	_ =	strace $0x80000047;
	s26 =	sshrl.u32 s1, $0x1;
	s3 =	sshrl.u32 s25, $0x3  }
0xc: {  	s1 =	ssub.s32 s1, s26;
	s5 =	sshll.u32 s25, $0x4;
	s25 =	simm.s32 $0x6  }
0xd: {  	s26 =	simm.s32 $0x7;
	s6 =	sadd.s32 s3, s0;
	s3 =	sadd.s32 $0x6C00, s0  }
0xe: {  	s0 =	sadd.s32 $0x10A200, s0;
	s4 =	sadd.s32 $0x800, s6;
	s6 =	smax.u32 s1, $0x1  }
.LBB2_4:
0xf: {  	_ =	swait.ge [sflag:s25], $0x2000  }
0x10: {  	[sflag:s25] =	ssyncset.done $0x0  }
0x11: {  	[sflag:s25] =	ssyncadd.s32 $0xFFFFE000  }
0x12: {  	_ =	swait.ge [sflag:s26], $0x2000  }
0x13: {  	[sflag:s26] =	ssyncset.done $0x0  }
0x14: {  	[sflag:s26] =	ssyncadd.s32 $0xFFFFE000  }
0x15: {  	_ =	swait.ge [sflag:s28], $0x2000  }
0x16: {  	[sflag:s28] =	ssyncset.done $0x0  }
0x17: {  	s31 =	sadd.s32 $0x1, s31;
	[sflag:s28] =	ssyncadd.s32 $0xFFFFE000  }
0x18: {  	p0 =	sne.s32 s31, s6;
	_ =	swait.ge [sflag:s29], $0x2000  }
.Ltmp1:
0x19: {  	[sflag:s29] =	ssyncset.done $0x0;
	(pc) =	sbr.rel @!p0 .LBB2_5-.Ltmp1, $4  }
0x1a: {  	[sflag:s29] =	ssyncadd.s32 $0xFFFFE000  }
0x1b: {  	_ =	swait.ge [sflag:s30], $0x2000  }
0x1c: {  	[sflag:s30] =	ssyncset.done $0x0  }
0x1d: {  	[sflag:s30] =	ssyncadd.s32 $0xFFFFE000  }
.LBB2_1:
0x1e: {  	s1 =	simm.s32 $0x0;
	s2 =	simm.s32 $0x1000  }
0x1f: {  	[tilespmem:s1], [sflag:$0xB] =	stream.strided.gather [hbm4b:s4+s8], $0x1900, s2, s8, $0x38;
	[tilespmem:$0xB900] =	vst v63  }
0x20: {  	_ =	swait.ge [sflag:s10], $0x1900  }
0x21: {  	[sflag:s10] =	ssyncset.done $0x0  }
0x22: {  	[sflag:s10] =	ssyncadd.s32 $0xFFFFE700  }
0x23: {  	[tilespmem:s11], [sflag:$0x1] =	stream.indirect.gather [hbm4b:s3+s8], $0x40, s1, s8, $0xb8;
	[tilespmem:$0xB900] =	vst v63  }
0x24: {  	_ = 	snop  }
0x25: {  	[tilespmem:s12], [sflag:$0x2] =	stream.indirect.gather [hbm4b:s3+s8], $0x40, s8, s8, $0xb8;
	[tilespmem:$0xB900] =	vst v63  }
0x26: {  	s13 =	simm.s32 $0x100  }
0x27: {  	[tilespmem:s14], [sflag:$0x3] =	stream.indirect.gather [hbm4b:s3+s8], $0x40, s13, s8, $0xb8;
	[tilespmem:$0xB900] =	vst v63  }
0x28: {  	s15 =	simm.s32 $0x180  }
0x29: {  	[tilespmem:s16], [sflag:$0x4] =	stream.indirect.gather [hbm4b:s3+s8], $0x40, s15, s8, $0xb8;
	[tilespmem:$0xB900] =	vst v63  }
0x2a: {  	s17 =	simm.s32 $0x200;
	s7 =	smov.u32 s0;
	s1 =	simm.s32 $0x0  }
0x2b: {  	[tilespmem:s18], [sflag:$0x5] =	stream.indirect.gather [hbm4b:s3+s8], $0x40, s17, s8, $0xb8;
	[tilespmem:$0xB900] =	vst v63  }
.LBB2_2:
0x2c: {  	_ =	swait.ge [sflag:s19], $0x2000  }
0x2d: {  	s9 =	sadd.s32 s5, s7;
	[sflag:s19] =	ssyncset.done $0x0  }
0x2e: {  	p0 =	seq.s32 s1, $0x5A00;
	s13 =	sadd.s32 $0xFFFC0000, s9;
	[sflag:s19] =	ssyncadd.s32 $0xFFFFE000  }
0x2f: {  	[hbm4b:s13+s20] =	stream.strided.scatter [tilespmem:s11], [sflag:$0x6], $0x2000, s8, s20, $0x38;
	[tilespmem:$0xB900] =	vst v63  }
0x30: {  	s13 =	simm.s32 @!p0 $0x6  }
0x31: {  	_ =	swait.ge @!p0 [sflag:s13], $0x2000  }
0x32: {  	[sflag:s13] =	ssyncset.done @!p0 $0x0  }
0x33: {  	[sflag:s13] =	ssyncadd.s32 @!p0 $0xFFFFE000;
	s13 =	sshra.s32 @!p0 s1, $0x2  }
0x34: {  	s17 =	simm.s32 @!p0 $0x80;
	s2 =	simm.s32 @!p0 $0x1900;
	s15 =	sadd.s32 @!p0 $0x280, s13  }
0x35: {  	[tilespmem:s2], [sflag:$0x1] =	stream.indirect.gather @!p0 [hbm4b:s3+s17], $0x40, s15, s17, $0xb8;
	[tilespmem:$0xB900] =	vst v63  }
0x36: {  	_ =	swait.ge [sflag:s21], $0x2000  }
0x37: {  	[sflag:s21] =	ssyncset.done $0x0  }
0x38: {  	s15 =	sadd.s32 $0xFFFD0000, s9;
	s2 =	simm.s32 @!p0 $0x7;
	[sflag:s21] =	ssyncadd.s32 $0xFFFFE000  }
0x39: {  	[hbm4b:s15+s20] =	stream.strided.scatter [tilespmem:s12], [sflag:$0x7], $0x2000, s8, s20, $0x38;
	[tilespmem:$0xB900] =	vst v63  }
0x3a: {  	_ =	swait.ge @!p0 [sflag:s2], $0x2000  }
0x3b: {  	[sflag:s2] =	ssyncset.done @!p0 $0x0  }
0x3c: {  	s15 =	simm.s32 @!p0 $0x3900;
	[sflag:s2] =	ssyncadd.s32 @!p0 $0xFFFFE000;
	s2 =	sadd.s32 @!p0 $0x300, s13  }
0x3d: {  	[tilespmem:s15], [sflag:$0x2] =	stream.indirect.gather @!p0 [hbm4b:s3+s17], $0x40, s2, s17, $0xb8;
	[tilespmem:$0xB900] =	vst v63  }
0x3e: {  	_ =	swait.ge [sflag:s22], $0x2000  }
0x3f: {  	[sflag:s22] =	ssyncset.done $0x0  }
0x40: {  	s15 =	sadd.s32 $0xFFFE0000, s9;
	s2 =	simm.s32 @!p0 $0x8;
	[sflag:s22] =	ssyncadd.s32 $0xFFFFE000  }
0x41: {  	[hbm4b:s15+s20] =	stream.strided.scatter [tilespmem:s14], [sflag:$0x8], $0x2000, s8, s20, $0x38;
	[tilespmem:$0xB900] =	vst v63  }
0x42: {  	_ =	swait.ge @!p0 [sflag:s2], $0x2000  }
0x43: {  	[sflag:s2] =	ssyncset.done @!p0 $0x0  }
0x44: {  	s15 =	simm.s32 @!p0 $0x5900;
	[sflag:s2] =	ssyncadd.s32 @!p0 $0xFFFFE000;
	s2 =	sadd.s32 @!p0 $0x380, s13  }
0x45: {  	[tilespmem:s15], [sflag:$0x3] =	stream.indirect.gather @!p0 [hbm4b:s3+s17], $0x40, s2, s17, $0xb8;
	[tilespmem:$0xB900] =	vst v63  }
0x46: {  	_ =	swait.ge [sflag:s23], $0x2000  }
0x47: {  	[sflag:s23] =	ssyncset.done $0x0  }
0x48: {  	s15 =	sadd.s32 $0xFFFF0000, s9;
	s2 =	simm.s32 @!p0 $0x9;
	[sflag:s23] =	ssyncadd.s32 $0xFFFFE000  }
0x49: {  	[hbm4b:s15+s20] =	stream.strided.scatter [tilespmem:s16], [sflag:$0x9], $0x2000, s8, s20, $0x38;
	[tilespmem:$0xB900] =	vst v63  }
0x4a: {  	_ =	swait.ge @!p0 [sflag:s2], $0x2000  }
0x4b: {  	[sflag:s2] =	ssyncset.done @!p0 $0x0  }
0x4c: {  	[sflag:s2] =	ssyncadd.s32 @!p0 $0xFFFFE000;
	s2 =	sadd.s32 @!p0 $0x400, s13;
	s13 =	simm.s32 @!p0 $0x7900  }
0x4d: {  	[tilespmem:s13], [sflag:$0x4] =	stream.indirect.gather @!p0 [hbm4b:s3+s17], $0x40, s2, s17, $0xb8;
	[tilespmem:$0xB900] =	vst v63  }
.Ltmp2:
0x4e: {  	_ = 	snop;
	(pc) =	sbr.rel @p0 .LBB2_4-.Ltmp2, $4  }
0x4f: {  	_ =	swait.ge [sflag:s24], $0x2000  }
0x50: {  	[sflag:s24] =	ssyncset.done $0x0  }
0x51: {  	[sflag:s24] =	ssyncadd.s32 $0xFFFFE000  }
0x52: {  	[hbm4b:s9+s20] =	stream.strided.scatter [tilespmem:s18], [sflag:$0xA], $0x2000, s8, s20, $0x38;
	[tilespmem:$0xB900] =	vst v63  }
.Ltmp3:
0x53: {  	(pc) =	sbr.rel .LBB2_2-.Ltmp3, $4  }
0x54: {  	_ =	swait.ge [sflag:s30], $0x2000  }
0x55: {  	s2 =	sshra.s32 s1, $0x2;
	s1 =	sadd.s32 $0xA00, s1;
	[sflag:s30] =	ssyncset.done $0x0  }
0x56: {  	s7 =	sadd.s32 $0x50000, s7;
	s2 =	sadd.s32 $0x480, s2;
	[sflag:s30] =	ssyncadd.s32 $0xFFFFE000  }
0x57: {  	[tilespmem:s18], [sflag:$0x5] =	stream.indirect.gather [hbm4b:s3+s8], $0x40, s2, s8, $0xb8;
	[tilespmem:$0xB900] =	vst v63  }
.LBB2_5:
0x58: {  	_ =	sfence.sel $0x180000  }
0x59: {  	[bflag:$0x0] =	sbarrier.arrive $0xFFFF  }
0x5a: {  	_ =	strace $0x90000047  }
0x5b: {  	s0 =	stileid.u32;
	[bflag:$0x2] =	sbarrier.arrive $0xFFFF  }
0x5c: {  	p0 =	sne.s32 s0, $0x0;
	s0 =	rddreg [dreg:$0x1]  }
0x5d: {  	s0 =	sadd.s32 @!p0 $0x100000, s0  }
0x5e: {  	[sflag:s0] =	ssyncadd.tile.s32 @!p0 $0x1;
	_ =	shalt  }
.Lfunc_end2:
_tile_overlayer_lowered:
.L_overlay_start_2:
0x5f: {  	(tag) =	ssettag $0x2  }
0x60: {  	s0 =	rddreg [dreg:$0x0];
	s2 =	stileid.u32  }
0x61: {  	s1 =	rddreg [dreg:$0x1];
	p0 =	sne.s32 s2, $0x0  }
0x62: {  	s3 =	rddreg [dreg:$0x2];
	[bflag:$0x3] =	sbarrier.arrive $0xFFFF;
	s2 =	simm.s32 @!p0 $0x1C0B  }
0x63: {  	[timem:s3], [sflag:s2] =	dma.local @!p0 [hbm:s0], s1  }
0x64: {  	s0 =	simm.s32 @!p0 $0xB  }
0x65: {  	_ =	swait.ge @!p0 [sflag:s0], s1  }
0x66: {  	s1 =	ssub.s32 @!p0 $0x0, s1;
	[sflag:s0] =	ssyncset.done @!p0 $0x0  }
0x67: {  	[sflag:s0] =	ssyncadd.s32 @!p0 s1  }
0x68: {  	[bflag:$0x3] =	sbarrier.arrive $0xFFFF  }
0x69: {  	_ =	shalt  }

// kernel: sparse-core-data-format-call.cloned.1.call-start
scs
called_computation_lowered:
.L_overlay_start_0:
0x0: {  	s2 =	sld [smem:$0x3FD9]  }
0x1: {  	s3 =	sld [smem:$0x3FFE];
	_ =	sdelay $0x1  }
0x2: {  	s1 =	srdreg.scid  }
0x3: {  	s0 =	sand.u32 $0x1, s1  }
0x4: {  	s18 =	sshll.u32 s0, $0xA;
	s2 =	sadd.s32 s3, s2  }
0x5: {  	s2 =	sadd.s32 s2, s18  }
0x6: {  	[smem:$0x3FC6] =	sst s2  }
0x7: {  	_ = 	snop  }
0x8: {  	s2 =	sld [smem:$0x3FD0];
	(tm) =	ssettm $0x1  }
0x9: {  	s19 =	sld [smem:$0x3FFB];
	_ =	sdelay $0x3  }
0xa: {  	_ =	strace s19  }
0xb: {  	s3 =	sld [smem:$0x3FFC];
	_ =	sdelay $0x3  }
0xc: {  	_ =	strace s3  }
0xd: {  	s3 =	sld [smem:$0x3FFD];
	_ =	sdelay $0x3  }
0xe: {  	_ =	strace s3  }
0xf: {  	_ =	strace $0x8FFFFFFF  }
0x10: {  	s20 =	sld [smem:$0x3FDB];
	_ =	sdelay $0x1  }
0x11: {  	s4 =	simm.s32 $_scs_section_size  }
0x12: {  	s5 =	simm.s32 $_size__tile_overlayer_lowered;
	s6 =	simm.s32 $_tile_overlayer_lowered  }
0x13: {  	s23 =	simm.s32 $0x1BFF;
	s22 =	sshll.u32 s6, $0x1;
	s3 =	sadd.s32 s4, s20  }
0x14: {  	s7 =	simm.s32 $0x0;
	s21 =	sshll.u32 s5, $0x1;
	s5 =	sadd.s32 s22, s3  }
0x15: {  	[timem:s7], [sflag:s23] =	dma.local [hbm:s5], s21  }
0x16: {  	_ =	swait.ge [sflag:s23], s21  }
0x17: {  	s4 =	ssub.s32 $0x0, s21;
	[sflag:s23] =	ssyncset.done $0x0  }
0x18: {  	[sflag:s23] =	ssyncadd.s32 s4;
	_ =	sdelay $0x1  }
0x19: {  	s24 =	simm.s32 $0x1B8B  }
0x1a: {  	_ =	swait.ge [sflag:s24], $0x1  }
0x1b: {  	[sflag:s24] =	ssyncset.done $0x0  }
0x1c: {  	s26 =	simm.s32 $0x1B8E;
	s25 =	sld [smem:$0x3FFE];
	[sflag:s24] =	ssyncadd.s32 $0xFFFFFFFF  }
0x1d: {  	s27 =	simm.s32 $execute0_lowered;
	[smem:$0x3FD2] =	sst s26  }
0x1e: {  	s5 =	sshll.u32 s27, $0x1;
	_ =	strace $0x80000049;
	[dreg:$0x1] =	wrdreg $0xFFFFFFFF  }
0x1f: {  	s28 =	simm.s32 $_size_execute0_lowered;
	s3 =	sadd.s32 s3, s5;
	[dreg:$0x0] =	wrdreg $0x0  }
0x20: {  	s5 =	sshll.u32 s28, $0x1;
	[dreg:$0x2] =	wrdreg s3  }
0x21: {  	[dreg:$0x3] =	wrdreg s5  }
0x22: {  	[dreg:$0x4] =	wrdreg $0xC0  }
0x23: {  	_ =	task [dreg:s7], $0x5FFFF  }
0x24: {  	[dreg:$0x1] =	wrdreg $0xFFFFFFFF  }
0x25: {  	[dreg:$0x0] =	wrdreg $0x60  }
0x26: {  	[dreg:$0x2] =	wrdreg s25  }
0x27: {  	[dreg:$0x3] =	wrdreg s2  }
0x28: {  	[dreg:$0x4] =	wrdreg $0x9  }
0x29: {  	_ =	task.clear_ibuf [dreg:s7], $0x5FFFF;
	_ =	strace $0x90000049  }
0x2a: {  	s29 =	simm.s32 $0x9;
	_ =	strace $0x8000004B  }
0x2b: {  	_ =	swait.ge [sflag:s29], $0x1  }
0x2c: {  	[sflag:s29] =	ssyncadd.s32 $0xFFFFFFFF  }
0x2d: {  	_ =	strace $0x9000004B  }
0x2e: {  	_ =	sfence  }
0x2f: {  	s30 =	sld [smem:$0x0];
	_ =	sdelay $0x2  }
0x30: {  	s31 =	sshll.u32 s1, $0xD;
	s1 =	sshrl.u32 s1, $0x2  }
0x31: {  	s3 =	sand.u32 $0x4000, s31;
	s1 =	sadd.s32 s1, s30  }
0x32: {  	s0 =	sor.u32 s3, s0;
	s1 =	sshll.u32 s1, $0x11  }
0x33: {  	s0 =	sor.u32 s1, s0  }
0x34: {  	s0 =	sadd.s32 $0x8F2B, s0  }
0x35: {  	[sflag:s0] =	ssyncadd.remote.s32 $0x1  }
0x36: {  	_ =	sfence.sel $0xFFFF  }
0x37: {  	[dreg:$0x0] =	wrdreg $0xFFFFFFFF;
	(pc) =	sbr.abs _section_cstart, $3  }
0x38: {  	[dreg:$0x1] =	wrdreg $0xFFFFFFFF  }
0x39: {  	_ =	task.clear_ibuf [dreg:s7], $0x2FFFF;
	_ =	strace $0x9FFFFFFF  }
0x3a: {  	(tm) =	ssettm $0x7FFFFFFF  }
0x3b: {  	_ =	shalt  }
tec
execute0_lowered:
.L_overlay_start_1:
0x0: {  	(tag) =	ssettag $0x1  }
0x1: {  	s0 =	srdreg.scid  }
0x2: {  	s1 =	sshll.u32 s0, $0x4  }
0x3: {  	s5 =	rddreg [dreg:$0x0];
	s0 =	stileid.u32;
	s1 =	sand.u32 $0x10, s1  }
0x4: {  	s3 =	rddreg [dreg:$0x1];
	s31 =	simm.s32 $0x2;
	s4 =	sor.u32 s0, s1  }
0x5: {  	s13 =	simm.s32 $0x0;
	s9 =	simm.s32 $0x400;
	s2 =	sshll.u32 s4, $0x7  }
0x6: {  	s10 =	simm.s32 $0x8000;
	s14 =	simm.s32 $0x0;
	s6 =	ssub.s32 $0x1000, s2  }
0x7: {  	s1 =	rddreg [dreg:$0x2];
	_ =	strace $0x8000004A;
	s7 =	sand.u32 $0xF80, s6  }
0x8: {  	s4 =	sshll.u32 s4, $0xB;
	p0 =	sne.s32 s7, $0x0;
	s7 =	simm.s32 $0x1  }
.Ltmp0:
0x9: {  	s6 =	sshrl.u32 s6, $0xC;
	s7 =	simm.s32 @!p0 $0x0;
	(pc) =	sbr.rel .LBB1_1-.Ltmp0, $4  }
0xa: {  	s8 =	sadd.s32 s4, s5;
	s4 =	simm.s32 $0x1;
	s30 =	sadd.s32 s7, s6  }
0xb: {  	s11 =	simm.s32 $0x0;
	[sflag:s4] =	ssyncpa.u1 $0x0;
	s5 =	smul.u32 $0x19, s30  }
0xc: {  	s12 =	simm.s32 $0x0;
	[sflag:s31] =	ssyncpa.u1 $0x0;
	p0 =	por $0x0, $0x0  }
0xd: {  	s6 =	sadd.s32 $0xCA200, s8;
	s7 =	sadd.s32 $0xDA200, s8;
	s8 =	sadd.s32 $0x1, s5  }
.LBB1_7:
0xe: {  	s15 =	sadd.s32 $0x2, s11  }
0xf: {  	p2 =	sgt.s32 s15, $0x31  }
0x10: {  	s15 =	simm.s32 @p2 $0x0;
	p2 =	sne.s32 s12, s8  }
.Ltmp1:
0x11: {  	p1 =	slt.u32 s12, $0x2;
	(pc) =	sbr.rel @!p2 .LBB1_8-.Ltmp1, $4  }
0x12: {  	s13 =	simm.s32 @!p1 $0x2  }
0x13: {  	s16 =	sadd.s32 $0x1, s12;
	s14 =	smov.u32 s11;
	_ =	swait.ge @!p1 [sflag:s13], $0x4000  }
0x14: {  	p0 =	por !p0, !p0;
	s12 =	smov.u32 s16;
	[sflag:s13] =	ssyncset.done @!p1 $0x0  }
0x15: {  	s11 =	smov.u32 s15;
	[sflag:s13] =	ssyncadd.s32 @!p1 $0xFFFFC000;
	s13 =	smov.u32 s2  }
.LBB1_1:
0x16: {  	p1 =	sge.u32 s12, s5  }
0x17: {  	s15 =	sxor.u32 @!p1 $0xFFFFFFFF, s12  }
0x18: {  	s16 =	sshll.u32 @!p1 s11, $0x10;
	s18 =	simm.s32 @!p1 $0x40;
	s15 =	sshll.u32 @!p1 s15, $0xE  }
0x19: {  	s19 =	simm.s32 @!p1 $0x80;
	s17 =	sadd.s32 @!p1 s16, s6;
	s15 =	sand.u32 @!p1 $0x4000, s15  }
0x1a: {  	[tilespmem:s15], [sflag:$0x1] =	stream.strided.gather @!p1 [hbm4b:s17+s18], $0x2000, s19, s18, $0x38;
	[tilespmem:$0x10100] =	vst v63  }
0x1b: {  	s31 =	sadd.s32 $0xFFFFFFFF, s12;
	s16 =	sadd.s32 @!p1 s16, s7;
	s15 =	sor.u32 @!p1 $0x2000, s15  }
0x1c: {  	[tilespmem:s15], [sflag:$0x1] =	stream.strided.gather @!p1 [hbm4b:s16+s18], $0x2000, s19, s18, $0x38;
	[tilespmem:$0x10100] =	vst v63  }
0x1d: {  	p1 =	sge.u32 s31, s5  }
.Ltmp2:
0x1e: {  	_ = 	snop;
	(pc) =	sbr.rel @p1 .LBB1_7-.Ltmp2, $1  }
0x1f: {  	_ =	sdelay $0x3  }
0x20: {  	s15 =	simm.s32 $0x1;
	s17 =	sand.u32 $0x1, s12  }
0x21: {  	_ =	swait.ge [sflag:s4], $0x4000;
	s15 =	simm.s32 @!p0 $0x0;
	s17 =	smul.u32 $0x10200, s17  }
0x22: {  	p2 =	por $0x1, $0x1;
	[sflag:s4] =	ssyncset.done $0x0;
	s16 =	smul.u32 $0x10200, s15  }
0x23: {  	s18 =	sshll.u32 s15, $0x10;
	[sflag:s4] =	ssyncadd.s32 $0xFFFFC000;
	s30 =	sshrl.u32 s17, $0x2  }
0x24: {  	s31 =	sshrl.u32 s18, $0x2;
	s18 =	simm.s32 $0x0;
	s16 =	sshrl.u32 s16, $0x2  }
0x25: {  	s15 =	sor.u32 $0x8000, s30;
	s17 =	sadd.s32 $0x20, s31;
	s16 =	sor.u32 $0x8000, s16  }
.LBB1_3:
0x26: {  	s19 =	sshll.u32 s18, $0xD  }
0x27: {  	s19 =	sand.u32 $0x3FFFE000, s19  }
0x28: {  	s21 =	sadd.s32 s19, s17  }
0x29: {  	s31 =	smul.u32 $0x8100, s18;
	v3 =	vld [tilespmem:s21+$0x10]  }
0x2a: {  	v1 =	vld [tilespmem:s21+$0xFFFFFFF0]  }
0x2b: {  	s18 =	sshra.s32 s31, $0x2;
	v0 =	vld [tilespmem:s21+$0x0]  }
0x2c: {  	s18 =	sadd.s32 s18, s16;
	v2 =	vld [tilespmem:s21+$0xFFFFFFE0]  }
0x2d: {  	s19 =	sadd.s32 $0x0, s18  }
0x2e: {  	p1 =	por p2, p2;
	s20 =	simm.s32 $0x4;
	s21 =	sadd.s32 $0x40, s21;
	[tilespmem:s19+$0x1830 ss:$0x81] =	vst.msk $0xffff, v3  }
.LBB1_4:
0x2f: {  	v3 =	vld [tilespmem:s21+$0x10];
	p2 =	sne.s32 s20, $0x1FC;
	[tilespmem:s19+$0x810 ss:$0x81] =	vst.msk $0xffff, v1;
	s22 =	smov.u32 s20;
	s20 =	sadd.s32 $0x4, s20  }
.Ltmp3:
0x30: {  	v1 =	vld [tilespmem:s21+$0xFFFFFFF0];
	[tilespmem:s19+$0x1020 ss:$0x81] =	vst.msk $0xffff, v0;
	(pc) =	sbr.rel @p2 .LBB1_4-.Ltmp3, $4  }
0x31: {  	v0 =	vld [tilespmem:s21+$0x0];
	[tilespmem:s19+$0x0 ss:$0x81] =	vst.msk $0xffff, v2  }
0x32: {  	s19 =	sshra.s32 s22, $0x2;
	v2 =	vld [tilespmem:s21+$0xFFFFFFE0]  }
0x33: {  	s19 =	sadd.s32 s19, s18  }
0x34: {  	s21 =	sadd.s32 $0x40, s21;
	[tilespmem:s19+$0x1830 ss:$0x81] =	vst.msk $0xffff, v3  }
.Ltmp4:
0x35: {  	(pc) =	sbr.rel @p1 .LBB1_3-.Ltmp4, $4  }
0x36: {  	_ = 	snop  }
0x37: {  	[tilespmem:s19+$0x810 ss:$0x81] =	vst.msk $0xffff, v1  }
0x38: {  	[tilespmem:s19+$0x1020 ss:$0x81] =	vst.msk $0xffff, v0  }
0x39: {  	s18 =	simm.s32 $0x1;
	p2 =	por $0x0, $0x0;
	[tilespmem:s19+$0x0 ss:$0x81] =	vst.msk $0xffff, v2  }
.Ltmp5:
0x3a: {  	(pc) =	sbr.rel .LBB1_7-.Ltmp5, $4  }
0x3b: {  	s14 =	sshll.u32 s14, $0xF  }
0x3c: {  	s14 =	sadd.s32 s3, s14  }
0x3d: {  	s13 =	sadd.s32 s13, s14  }
0x3e: {  	[hbm4b:s13+s9] =	stream.strided.scatter [tilespmem:s15], [sflag:$0x2], $0x4000, s10, s9, $0x20;
	[tilespmem:$0x10100] =	vst v63  }
.LBB1_8:
0x3f: {  	_ =	sfence.sel $0x180000  }
0x40: {  	s2 =	simm.s32 $0x1;
	[bflag:$0x0] =	sbarrier.arrive $0xFFFF  }
0x41: {  	s31 =	simm.s32 $0x2;
	[sflag:s2] =	ssyncpa.u1 $0x1  }
0x42: {  	[sflag:s31] =	ssyncpa.u1 $0x1  }
0x43: {  	p0 =	sne.s32 s0, $0x0;
	_ =	strace $0x9000004A  }
0x44: {  	s0 =	sadd.s32 @!p0 $0x100000, s1;
	[bflag:$0x2] =	sbarrier.arrive $0xFFFF  }
0x45: {  	[sflag:s0] =	ssyncadd.tile.s32 @!p0 $0x1;
	_ =	shalt  }
.Lfunc_end1:
_tile_overlayer_lowered:
.L_overlay_start_2:
0x46: {  	(tag) =	ssettag $0x2  }
0x47: {  	s0 =	rddreg [dreg:$0x0];
	s2 =	stileid.u32  }
0x48: {  	s1 =	rddreg [dreg:$0x1];
	p0 =	sne.s32 s2, $0x0  }
0x49: {  	s3 =	rddreg [dreg:$0x2];
	[bflag:$0x3] =	sbarrier.arrive $0xFFFF;
	s2 =	simm.s32 @!p0 $0x1C01  }
0x4a: {  	[timem:s3], [sflag:s2] =	dma.local @!p0 [hbm:s0], s1  }
0x4b: {  	s0 =	simm.s32 @!p0 $0x1  }
0x4c: {  	_ =	swait.ge @!p0 [sflag:s0], s1  }
0x4d: {  	s1 =	ssub.s32 @!p0 $0x0, s1;
	[sflag:s0] =	ssyncset.done @!p0 $0x0  }
0x4e: {  	[sflag:s0] =	ssyncadd.s32 @!p0 s1  }
0x4f: {  	[bflag:$0x3] =	sbarrier.arrive $0xFFFF  }
0x50: {  	_ =	shalt  }

</sc_bundles>
